<compile_context>
chip_gen: v7x
topology: tpu7x:2x2x1
jax: 0.10.2.dev20260603
libtpu: 0.0.44.dev20260713+nightly
codegen_flags: <defaults>
</compile_context>

<pallas_src>
import functools

import jax
import jax.numpy as jnp
from jax import lax
from jax.experimental import pallas as pl
from jax.experimental.pallas import tpu as pltpu
from jax.experimental.pallas import tpu_sc as plsc

BATCH = 16384
DIM = 64
NC, NS = 2, 16
NW = NC * NS
B_PER_W = BATCH // NW
CH = 128
NCH = B_PER_W // CH

TW = 8192




def _pack2(a, b):
    au = lax.bitcast_convert_type(
        a.astype(jnp.bfloat16).T, jnp.uint16).astype(jnp.uint32)
    bu = lax.bitcast_convert_type(
        b.astype(jnp.bfloat16).T, jnp.uint16).astype(jnp.uint32)
    return (au << 16) | bu


def _xpose_body(a_ref, b_ref, o_ref):
    a = a_ref[...]
    b = b_ref[...]
    w = jnp.concatenate([_pack2(a[:, :TW], b[:, :TW]),
                         _pack2(a[:, TW:], b[:, TW:])], axis=1)
    o_ref[...] = lax.bitcast_convert_type(w, jnp.int32)


def _tc_transpose_pack(ta_T, tb_T):
    n = ta_T.shape[1]
    grid = pl.cdiv(n, 2 * TW)
    return pl.pallas_call(
        _xpose_body,
        grid=(grid,),
        in_specs=[
            pl.BlockSpec((DIM, 2 * TW), lambda i: (0, i)),
            pl.BlockSpec((DIM, 2 * TW), lambda i: (0, i)),
        ],
        out_specs=pl.BlockSpec((TW, 2 * DIM), lambda i: (i, 0)),
        out_shape=jax.ShapeDtypeStruct((grid * TW, 2 * DIM), jnp.int32),
    )(ta_T, tb_T)



def _sc_gather2(u2, i2, p_user, p_item):
    mesh = plsc.VectorSubcoreMesh(core_axis_name="c", subcore_axis_name="s")
    row_t = jax.ShapeDtypeStruct((BATCH, DIM), jnp.int32)

    @functools.partial(
        pl.kernel,
        out_type=(row_t, row_t),
        mesh=mesh,
        compiler_params=pltpu.CompilerParams(use_tc_tiling_on_sc=False),
        scratch_types=[
            pltpu.VMEM((NCH, CH), jnp.int32),
            pltpu.VMEM((NCH, CH), jnp.int32),
            pltpu.VMEM((CH, DIM), jnp.int32),
            pltpu.VMEM((CH, DIM), jnp.int32),
            pltpu.SemaphoreType.DMA,
            pltpu.SemaphoreType.DMA,
            pltpu.SemaphoreType.DMA,
            pltpu.SemaphoreType.DMA,
        ],
    )
    def k(u_hbm, i_hbm, pu_hbm, pi_hbm, o_u, o_i,
          uidx, iidx, rows_a, rows_b, sem_a, sem_b, sem_wa, sem_wb):
        wid = lax.axis_index("s") * NC + lax.axis_index("c")
        base = wid * B_PER_W

        pltpu.sync_copy(u_hbm.at[pl.ds(wid * NCH, NCH)], uidx)
        pltpu.sync_copy(i_hbm.at[pl.ds(wid * NCH, NCH)], iidx)

        work = []
        for table, idx, out in ((pu_hbm, uidx, o_u), (pi_hbm, iidx, o_i)):
            for c in range(NCH):
                work.append((table, idx, c, out))

        bufs = ((rows_a, sem_a, sem_wa), (rows_b, sem_b, sem_wb))
        pending_w = [None, None]
        for n, (table, idx, c, out) in enumerate(work):
            rows, sem_g, sem_w = bufs[n % 2]
            if pending_w[n % 2] is not None:
                pending_w[n % 2].wait()
            g = pltpu.async_copy(table.at[idx.at[c]], rows, sem_g)
            g.wait()
            pending_w[n % 2] = pltpu.async_copy(
                rows, out.at[pl.ds(base + c * CH, CH)], sem_w)
        for w in pending_w:
            if w is not None:
                w.wait()

    return k(u2, i2, p_user, p_item)



def _mm(a, b):
    return lax.dot_general(a, b, (((1,), (0,)), ((), ())),
                           preferred_element_type=jnp.float32)


BB = 2048

def _unpack(words):
    u = lax.bitcast_convert_type(words, jnp.uint32)
    mf = lax.bitcast_convert_type((u >> 16) << 16, jnp.float32)
    ml = lax.bitcast_convert_type(u << 16, jnp.float32)
    return mf, ml


def _dense_body(gu, gi,
                w0u, w0i, b0, w1, b1, w2, b2, wfm, wfh, bf, o):
    xmfu, xmlu = _unpack(gu[...])
    xmfi, xmli = _unpack(gi[...])

    h = _mm(xmlu, w0u[...]) + _mm(xmli, w0i[...]) + b0[...]
    h = jnp.maximum(h, 0.0)
    h = jnp.maximum(_mm(h, w1[...]) + b1[...], 0.0)
    h = jnp.maximum(_mm(h, w2[...]) + b2[...], 0.0)
    xmf = xmfu * xmfi
    o[...] = _mm(xmf, wfm[...]) + _mm(h, wfh[...]) + bf[...]


def _tc_dense(gu, gi, w0u, w0i, b0, w1, b1, w2, b2, wfm, wfh, bf):
    bspec = lambda shape: pl.BlockSpec(shape, lambda i: (i, 0))
    wspec = lambda shape: pl.BlockSpec(shape, lambda i: (0, 0))
    return pl.pallas_call(
        _dense_body,
        grid=(BATCH // BB,),
        in_specs=[
            bspec((BB, DIM)), bspec((BB, DIM)),
            wspec((DIM, 64)), wspec((DIM, 64)), wspec((1, 64)),
            wspec((64, 32)), wspec((1, 32)),
            wspec((32, 16)), wspec((1, 16)),
            wspec((DIM, 1)), wspec((16, 1)), wspec((1, 1)),
        ],
        out_specs=pl.BlockSpec((BB, 1), lambda i: (i, 0)),
        out_shape=jax.ShapeDtypeStruct((BATCH, 1), jnp.float32),
    )(gu, gi, w0u, w0i, b0, w1, b1, w2, b2, wfm, wfh, bf)


def kernel(user, item, mf_user_embed, mf_item_embed, mlp_user_embed,
           mlp_item_embed, W0, b0, W1, b1, W2, b2, Wf, bf):
    user = user.astype(jnp.int32)
    item = item.astype(jnp.int32)

    p_user = _tc_transpose_pack(mf_user_embed.T, mlp_user_embed.T)
    p_item = _tc_transpose_pack(mf_item_embed.T, mlp_item_embed.T)

    def rowmap(r):
        w = r // TW
        return (w // 2) * (2 * TW) + 2 * (r % TW) + (w % 2)

    u2 = rowmap(user)
    i2 = rowmap(item)
    gu, gi = _sc_gather2(u2.reshape(BATCH // CH, CH),
                         i2.reshape(BATCH // CH, CH),
                         p_user.reshape(-1, DIM), p_item.reshape(-1, DIM))

    w0t = W0.T
    wft = Wf.T
    out = _tc_dense(
        gu, gi,
        w0t[:DIM], w0t[DIM:], b0.reshape(1, -1),
        W1.T, b1.reshape(1, -1),
        W2.T, b2.reshape(1, -1),
        wft[:DIM], wft[DIM:], bf.reshape(1, 1))
    return out

# --- scband reference (transcript-rebuilt; emitter-appended) ---
"""Pipeline reference for scband-neu-mf-53669911331099 (READ-ONLY COPY).

The authoritative reference and input builder live on the scoring server;
editing this copy changes nothing except your own understanding.
"""

import jax, jax.numpy as jnp
import numpy as np

NB_USERS = 1000000
NB_ITEMS = 100000
MF_DIM = 64
MLP_SIZES = [128, 64, 32, 16]
BATCH = 16384


def setup_inputs(seed: int = 0) -> dict:
    key = jax.random.key(seed)
    ks = jax.random.split(key, 16)
    half = MLP_SIZES[0] // 2
    user = jax.random.randint(ks[0], (BATCH,), 0, NB_USERS, dtype=jnp.int64 if jax.config.jax_enable_x64 else jnp.int32)
    item = jax.random.randint(ks[1], (BATCH,), 0, NB_ITEMS, dtype=jnp.int64 if jax.config.jax_enable_x64 else jnp.int32)
    mf_user_embed = jax.random.normal(ks[2], (NB_USERS, MF_DIM), dtype=jnp.float32) * 0.01
    mf_item_embed = jax.random.normal(ks[3], (NB_ITEMS, MF_DIM), dtype=jnp.float32) * 0.01
    mlp_user_embed = jax.random.normal(ks[4], (NB_USERS, half), dtype=jnp.float32) * 0.01
    mlp_item_embed = jax.random.normal(ks[5], (NB_ITEMS, half), dtype=jnp.float32) * 0.01
    # MLP linear layers (torch convention: weight [out, in])
    W0 = jax.random.uniform(ks[6], (MLP_SIZES[1], MLP_SIZES[0]), dtype=jnp.float32, minval=-1, maxval=1) * float(np.sqrt(6.0 / (MLP_SIZES[0] + MLP_SIZES[1])))
    b0 = jnp.zeros((MLP_SIZES[1],), dtype=jnp.float32)
    W1 = jax.random.uniform(ks[7], (MLP_SIZES[2], MLP_SIZES[1]), dtype=jnp.float32, minval=-1, maxval=1) * float(np.sqrt(6.0 / (MLP_SIZES[1] + MLP_SIZES[2])))
    b1 = jnp.zeros((MLP_SIZES[2],), dtype=jnp.float32)
    W2 = jax.random.uniform(ks[8], (MLP_SIZES[3], MLP_SIZES[2]), dtype=jnp.float32, minval=-1, maxval=1) * float(np.sqrt(6.0 / (MLP_SIZES[2] + MLP_SIZES[3])))
    b2 = jnp.zeros((MLP_SIZES[3],), dtype=jnp.float32)
    Wf = jax.random.uniform(ks[9], (1, MLP_SIZES[3] + MF_DIM), dtype=jnp.float32, minval=-1, maxval=1) * float(np.sqrt(3.0 / (MLP_SIZES[3] + MF_DIM)))
    bf = jnp.zeros((1,), dtype=jnp.float32)
    return {
        "user": user, "item": item,
        "mf_user_embed": mf_user_embed, "mf_item_embed": mf_item_embed,
        "mlp_user_embed": mlp_user_embed, "mlp_item_embed": mlp_item_embed,
        "W0": W0, "b0": b0, "W1": W1, "b1": b1, "W2": W2, "b2": b2,
        "Wf": Wf, "bf": bf,
    }


def reference(user, item, mf_user_embed, mf_item_embed, mlp_user_embed, mlp_item_embed,
              W0, b0, W1, b1, W2, b2, Wf, bf):
    # GMF branch: embedding gathers + elementwise product
    xmfu = jnp.take(mf_user_embed, user, axis=0)
    xmfi = jnp.take(mf_item_embed, item, axis=0)
    xmf = xmfu * xmfi
    # MLP branch: embedding gathers + concat + MLP with ReLU
    xmlpu = jnp.take(mlp_user_embed, user, axis=0)
    xmlpi = jnp.take(mlp_item_embed, item, axis=0)
    xmlp = jnp.concatenate((xmlpu, xmlpi), axis=1)
    for W, b in ((W0, b0), (W1, b1), (W2, b2)):
        xmlp = jax.nn.relu(xmlp @ W.T + b)
    x = jnp.concatenate((xmf, xmlp), axis=1)
    x = x @ Wf.T + bf
    return x

if __name__ == "__main__":
    import jax
    _d = setup_inputs()
    print(jax.jit(kernel)(*tuple(_d.values())))

</pallas_src>

<mosaic_0001>
#map = affine_map<(d0, d1) -> (0, 0)>
module attributes {stable_mosaic.version = 14 : i64} {
  func.func @k(%arg0: i32, %arg1: i32, %arg2: memref<128x128xi32, #tpu.memory_space<hbm>>, %arg3: memref<128x128xi32, #tpu.memory_space<hbm>>, %arg4: memref<1015808x64xi32, #tpu.memory_space<hbm>>, %arg5: memref<114688x64xi32, #tpu.memory_space<hbm>>, %arg6: memref<16384x64xi32, #tpu.memory_space<hbm>>, %arg7: memref<16384x64xi32, #tpu.memory_space<hbm>>, %arg8: memref<4x128xi32, #tpu.memory_space<vmem>>, %arg9: memref<4x128xi32, #tpu.memory_space<vmem>>, %arg10: memref<128x64xi32, #tpu.memory_space<vmem>>, %arg11: memref<128x64xi32, #tpu.memory_space<vmem>>, %arg12: memref<!tpu.dma_semaphore, #tpu.memory_space<semaphore_mem>>, %arg13: memref<!tpu.dma_semaphore, #tpu.memory_space<semaphore_mem>>, %arg14: memref<!tpu.dma_semaphore, #tpu.memory_space<semaphore_mem>>, %arg15: memref<!tpu.dma_semaphore, #tpu.memory_space<semaphore_mem>>) attributes {dimension_semantics = [#tpu.dimension_semantics<core_parallel>, #tpu.dimension_semantics<subcore_parallel>], iteration_bounds = array<i64: 2, 16>, scalar_prefetch = 0 : i64, scratch_operands = 8 : i64, tpu.core_type = #tpu.core_type<sc_vector_subcore>, window_params = [{transform_indices = #map}, {transform_indices = #map}, {transform_indices = #map}, {transform_indices = #map}, {transform_indices = #map}, {transform_indices = #map}]} {
    %mul3A = arith.constant 2 : i32
    %mul3A_0 = arith.muli %arg1, %mul3A : i32
    %add3A = arith.addi %mul3A_0, %arg0 : i32
    %mul3A_1 = arith.constant 512 : i32
    %mul3A_2 = arith.muli %add3A, %mul3A_1 : i32
    %mul3A_3 = arith.constant 4 : i32
    %mul3A_4 = arith.muli %add3A, %mul3A_3 : i32
    "tpu.region"() ({
      %run_scoped3A = tpu.sem_alloc : memref<!tpu.dma_semaphore, #tpu.memory_space<semaphore_mem>>
      %dma_start3A_197 = arith.constant 0 : i32
      %dma_start3A_198 = tpu.memref_slice %arg2[%mul3A_4, %dma_start3A_197] : memref<128x128xi32, #tpu.memory_space<hbm>> -> memref<4x128xi32, #tpu.memory_space<hbm>>
      %dma_start3A_199 = arith.constant 0 : i32
      %dma_start3A_200 = tpu.memref_slice %arg2[%mul3A_4, %dma_start3A_199] : memref<128x128xi32, #tpu.memory_space<hbm>> -> memref<4x128xi32, #tpu.memory_space<hbm>>
      tpu.enqueue_dma source(%dma_start3A_200 : memref<4x128xi32, #tpu.memory_space<hbm>>) target(%arg8 : memref<4x128xi32, #tpu.memory_space<vmem>>) target_semaphore(%run_scoped3A : memref<!tpu.dma_semaphore, #tpu.memory_space<semaphore_mem>>)
      %dma_wait3A_201 = arith.constant 0 : i32
      %dma_wait3A_202 = tpu.memref_slice %arg2[%mul3A_4, %dma_wait3A_201] : memref<128x128xi32, #tpu.memory_space<hbm>> -> memref<4x128xi32, #tpu.memory_space<hbm>>
      %dma_wait3A_203 = arith.constant 0 : i32
      %dma_wait3A_204 = tpu.memref_slice %arg2[%mul3A_4, %dma_wait3A_203] : memref<128x128xi32, #tpu.memory_space<hbm>> -> memref<4x128xi32, #tpu.memory_space<hbm>>
      tpu.wait_dma2 semaphore(%run_scoped3A : memref<!tpu.dma_semaphore, #tpu.memory_space<semaphore_mem>>) src(%dma_wait3A_204 : memref<4x128xi32, #tpu.memory_space<hbm>>) dst(%arg8 : memref<4x128xi32, #tpu.memory_space<vmem>>)
      tpu.yield
    }) : () -> ()
    %mul3A_5 = arith.constant 4 : i32
    %mul3A_6 = arith.muli %add3A, %mul3A_5 : i32
    "tpu.region"() ({
      %run_scoped3A = tpu.sem_alloc : memref<!tpu.dma_semaphore, #tpu.memory_space<semaphore_mem>>
      %dma_start3A_197 = arith.constant 0 : i32
      %dma_start3A_198 = tpu.memref_slice %arg3[%mul3A_6, %dma_start3A_197] : memref<128x128xi32, #tpu.memory_space<hbm>> -> memref<4x128xi32, #tpu.memory_space<hbm>>
      %dma_start3A_199 = arith.constant 0 : i32
      %dma_start3A_200 = tpu.memref_slice %arg3[%mul3A_6, %dma_start3A_199] : memref<128x128xi32, #tpu.memory_space<hbm>> -> memref<4x128xi32, #tpu.memory_space<hbm>>
      tpu.enqueue_dma source(%dma_start3A_200 : memref<4x128xi32, #tpu.memory_space<hbm>>) target(%arg9 : memref<4x128xi32, #tpu.memory_space<vmem>>) target_semaphore(%run_scoped3A : memref<!tpu.dma_semaphore, #tpu.memory_space<semaphore_mem>>)
      %dma_wait3A_201 = arith.constant 0 : i32
      %dma_wait3A_202 = tpu.memref_slice %arg3[%mul3A_6, %dma_wait3A_201] : memref<128x128xi32, #tpu.memory_space<hbm>> -> memref<4x128xi32, #tpu.memory_space<hbm>>
      %dma_wait3A_203 = arith.constant 0 : i32
      %dma_wait3A_204 = tpu.memref_slice %arg3[%mul3A_6, %dma_wait3A_203] : memref<128x128xi32, #tpu.memory_space<hbm>> -> memref<4x128xi32, #tpu.memory_space<hbm>>
      tpu.wait_dma2 semaphore(%run_scoped3A : memref<!tpu.dma_semaphore, #tpu.memory_space<semaphore_mem>>) src(%dma_wait3A_204 : memref<4x128xi32, #tpu.memory_space<hbm>>) dst(%arg9 : memref<4x128xi32, #tpu.memory_space<vmem>>)
      tpu.yield
    }) : () -> ()
    %dma_start3A = arith.constant 0 : i32
    %dma_start3A_7 = arith.constant 0 : i32
    %dma_start3A_8 = tpu.memref_slice %arg8[%dma_start3A, %dma_start3A_7] : memref<4x128xi32, #tpu.memory_space<vmem>> -> memref<1x128xi32, #tpu.memory_space<vmem>>
    %dma_start3A_9 = tpu.memref_squeeze %dma_start3A_8 : memref<1x128xi32, #tpu.memory_space<vmem>> -> memref<128xi32, #tpu.memory_space<vmem>>
    %dma_start3A_10 = arith.constant 0 : i32
    %dma_start3A_11 = arith.constant 0 : i32
    %dma_start3A_12 = tpu.memref_slice %arg4[%dma_start3A_10, %dma_start3A_11] : memref<1015808x64xi32, #tpu.memory_space<hbm>> -> memref<1015808x64xi32, #tpu.memory_space<hbm>>
    tpu.enqueue_indirect_dma source(%dma_start3A_12 : memref<1015808x64xi32, #tpu.memory_space<hbm>>) target(%arg10 : memref<128x64xi32, #tpu.memory_space<vmem>>) offsets(%dma_start3A_9 : memref<128xi32, #tpu.memory_space<vmem>>) semaphore(%arg12 : memref<!tpu.dma_semaphore, #tpu.memory_space<semaphore_mem>>)
    %dma_wait3A = arith.constant 0 : i32
    %dma_wait3A_13 = arith.constant 0 : i32
    %dma_wait3A_14 = tpu.memref_slice %arg8[%dma_wait3A, %dma_wait3A_13] : memref<4x128xi32, #tpu.memory_space<vmem>> -> memref<1x128xi32, #tpu.memory_space<vmem>>
    %dma_wait3A_15 = tpu.memref_squeeze %dma_wait3A_14 : memref<1x128xi32, #tpu.memory_space<vmem>> -> memref<128xi32, #tpu.memory_space<vmem>>
    %dma_wait3A_16 = arith.constant 0 : i32
    %dma_wait3A_17 = arith.constant 0 : i32
    %dma_wait3A_18 = tpu.memref_slice %arg4[%dma_wait3A_16, %dma_wait3A_17] : memref<1015808x64xi32, #tpu.memory_space<hbm>> -> memref<1015808x64xi32, #tpu.memory_space<hbm>>
    tpu.wait_indirect_dma semaphore(%arg12 : memref<!tpu.dma_semaphore, #tpu.memory_space<semaphore_mem>>) src(%dma_wait3A_18 : memref<1015808x64xi32, #tpu.memory_space<hbm>>) dst(%arg10 : memref<128x64xi32, #tpu.memory_space<vmem>>)
    %add3A_19 = arith.constant 0 : i32
    %add3A_20 = arith.addi %mul3A_2, %add3A_19 : i32
    %dma_start3A_21 = arith.constant 0 : i32
    %dma_start3A_22 = tpu.memref_slice %arg6[%add3A_20, %dma_start3A_21] : memref<16384x64xi32, #tpu.memory_space<hbm>> -> memref<128x64xi32, #tpu.memory_space<hbm>>
    %dma_start3A_23 = arith.constant 0 : i32
    %dma_start3A_24 = tpu.memref_slice %arg6[%add3A_20, %dma_start3A_23] : memref<16384x64xi32, #tpu.memory_space<hbm>> -> memref<128x64xi32, #tpu.memory_space<hbm>>
    tpu.enqueue_dma source(%arg10 : memref<128x64xi32, #tpu.memory_space<vmem>>) target(%dma_start3A_24 : memref<128x64xi32, #tpu.memory_space<hbm>>) target_semaphore(%arg14 : memref<!tpu.dma_semaphore, #tpu.memory_space<semaphore_mem>>)
    %dma_start3A_25 = arith.constant 1 : i32
    %dma_start3A_26 = arith.constant 0 : i32
    %dma_start3A_27 = tpu.memref_slice %arg8[%dma_start3A_25, %dma_start3A_26] : memref<4x128xi32, #tpu.memory_space<vmem>> -> memref<1x128xi32, #tpu.memory_space<vmem>>
    %dma_start3A_28 = tpu.memref_squeeze %dma_start3A_27 : memref<1x128xi32, #tpu.memory_space<vmem>> -> memref<128xi32, #tpu.memory_space<vmem>>
    %dma_start3A_29 = arith.constant 0 : i32
    %dma_start3A_30 = arith.constant 0 : i32
    %dma_start3A_31 = tpu.memref_slice %arg4[%dma_start3A_29, %dma_start3A_30] : memref<1015808x64xi32, #tpu.memory_space<hbm>> -> memref<1015808x64xi32, #tpu.memory_space<hbm>>
    tpu.enqueue_indirect_dma source(%dma_start3A_31 : memref<1015808x64xi32, #tpu.memory_space<hbm>>) target(%arg11 : memref<128x64xi32, #tpu.memory_space<vmem>>) offsets(%dma_start3A_28 : memref<128xi32, #tpu.memory_space<vmem>>) semaphore(%arg13 : memref<!tpu.dma_semaphore, #tpu.memory_space<semaphore_mem>>)
    %dma_wait3A_32 = arith.constant 1 : i32
    %dma_wait3A_33 = arith.constant 0 : i32
    %dma_wait3A_34 = tpu.memref_slice %arg8[%dma_wait3A_32, %dma_wait3A_33] : memref<4x128xi32, #tpu.memory_space<vmem>> -> memref<1x128xi32, #tpu.memory_space<vmem>>
    %dma_wait3A_35 = tpu.memref_squeeze %dma_wait3A_34 : memref<1x128xi32, #tpu.memory_space<vmem>> -> memref<128xi32, #tpu.memory_space<vmem>>
    %dma_wait3A_36 = arith.constant 0 : i32
    %dma_wait3A_37 = arith.constant 0 : i32
    %dma_wait3A_38 = tpu.memref_slice %arg4[%dma_wait3A_36, %dma_wait3A_37] : memref<1015808x64xi32, #tpu.memory_space<hbm>> -> memref<1015808x64xi32, #tpu.memory_space<hbm>>
    tpu.wait_indirect_dma semaphore(%arg13 : memref<!tpu.dma_semaphore, #tpu.memory_space<semaphore_mem>>) src(%dma_wait3A_38 : memref<1015808x64xi32, #tpu.memory_space<hbm>>) dst(%arg11 : memref<128x64xi32, #tpu.memory_space<vmem>>)
    %add3A_39 = arith.constant 128 : i32
    %add3A_40 = arith.addi %mul3A_2, %add3A_39 : i32
    %dma_start3A_41 = arith.constant 0 : i32
    %dma_start3A_42 = tpu.memref_slice %arg6[%add3A_40, %dma_start3A_41] : memref<16384x64xi32, #tpu.memory_space<hbm>> -> memref<128x64xi32, #tpu.memory_space<hbm>>
    %dma_start3A_43 = arith.constant 0 : i32
    %dma_start3A_44 = tpu.memref_slice %arg6[%add3A_40, %dma_start3A_43] : memref<16384x64xi32, #tpu.memory_space<hbm>> -> memref<128x64xi32, #tpu.memory_space<hbm>>
    tpu.enqueue_dma source(%arg11 : memref<128x64xi32, #tpu.memory_space<vmem>>) target(%dma_start3A_44 : memref<128x64xi32, #tpu.memory_space<hbm>>) target_semaphore(%arg15 : memref<!tpu.dma_semaphore, #tpu.memory_space<semaphore_mem>>)
    %dma_wait3A_45 = arith.constant 0 : i32
    %dma_wait3A_46 = tpu.memref_slice %arg6[%add3A_20, %dma_wait3A_45] : memref<16384x64xi32, #tpu.memory_space<hbm>> -> memref<128x64xi32, #tpu.memory_space<hbm>>
    %dma_wait3A_47 = arith.constant 0 : i32
    %dma_wait3A_48 = tpu.memref_slice %arg6[%add3A_20, %dma_wait3A_47] : memref<16384x64xi32, #tpu.memory_space<hbm>> -> memref<128x64xi32, #tpu.memory_space<hbm>>
    tpu.wait_dma2 semaphore(%arg14 : memref<!tpu.dma_semaphore, #tpu.memory_space<semaphore_mem>>) src(%arg10 : memref<128x64xi32, #tpu.memory_space<vmem>>) dst(%dma_wait3A_48 : memref<128x64xi32, #tpu.memory_space<hbm>>)
    %dma_start3A_49 = arith.constant 2 : i32
    %dma_start3A_50 = arith.constant 0 : i32
    %dma_start3A_51 = tpu.memref_slice %arg8[%dma_start3A_49, %dma_start3A_50] : memref<4x128xi32, #tpu.memory_space<vmem>> -> memref<1x128xi32, #tpu.memory_space<vmem>>
    %dma_start3A_52 = tpu.memref_squeeze %dma_start3A_51 : memref<1x128xi32, #tpu.memory_space<vmem>> -> memref<128xi32, #tpu.memory_space<vmem>>
    %dma_start3A_53 = arith.constant 0 : i32
    %dma_start3A_54 = arith.constant 0 : i32
    %dma_start3A_55 = tpu.memref_slice %arg4[%dma_start3A_53, %dma_start3A_54] : memref<1015808x64xi32, #tpu.memory_space<hbm>> -> memref<1015808x64xi32, #tpu.memory_space<hbm>>
    tpu.enqueue_indirect_dma source(%dma_start3A_55 : memref<1015808x64xi32, #tpu.memory_space<hbm>>) target(%arg10 : memref<128x64xi32, #tpu.memory_space<vmem>>) offsets(%dma_start3A_52 : memref<128xi32, #tpu.memory_space<vmem>>) semaphore(%arg12 : memref<!tpu.dma_semaphore, #tpu.memory_space<semaphore_mem>>)
    %dma_wait3A_56 = arith.constant 2 : i32
    %dma_wait3A_57 = arith.constant 0 : i32
    %dma_wait3A_58 = tpu.memref_slice %arg8[%dma_wait3A_56, %dma_wait3A_57] : memref<4x128xi32, #tpu.memory_space<vmem>> -> memref<1x128xi32, #tpu.memory_space<vmem>>
    %dma_wait3A_59 = tpu.memref_squeeze %dma_wait3A_58 : memref<1x128xi32, #tpu.memory_space<vmem>> -> memref<128xi32, #tpu.memory_space<vmem>>
    %dma_wait3A_60 = arith.constant 0 : i32
    %dma_wait3A_61 = arith.constant 0 : i32
    %dma_wait3A_62 = tpu.memref_slice %arg4[%dma_wait3A_60, %dma_wait3A_61] : memref<1015808x64xi32, #tpu.memory_space<hbm>> -> memref<1015808x64xi32, #tpu.memory_space<hbm>>
    tpu.wait_indirect_dma semaphore(%arg12 : memref<!tpu.dma_semaphore, #tpu.memory_space<semaphore_mem>>) src(%dma_wait3A_62 : memref<1015808x64xi32, #tpu.memory_space<hbm>>) dst(%arg10 : memref<128x64xi32, #tpu.memory_space<vmem>>)
    %add3A_63 = arith.constant 256 : i32
    %add3A_64 = arith.addi %mul3A_2, %add3A_63 : i32
    %dma_start3A_65 = arith.constant 0 : i32
    %dma_start3A_66 = tpu.memref_slice %arg6[%add3A_64, %dma_start3A_65] : memref<16384x64xi32, #tpu.memory_space<hbm>> -> memref<128x64xi32, #tpu.memory_space<hbm>>
    %dma_start3A_67 = arith.constant 0 : i32
    %dma_start3A_68 = tpu.memref_slice %arg6[%add3A_64, %dma_start3A_67] : memref<16384x64xi32, #tpu.memory_space<hbm>> -> memref<128x64xi32, #tpu.memory_space<hbm>>
    tpu.enqueue_dma source(%arg10 : memref<128x64xi32, #tpu.memory_space<vmem>>) target(%dma_start3A_68 : memref<128x64xi32, #tpu.memory_space<hbm>>) target_semaphore(%arg14 : memref<!tpu.dma_semaphore, #tpu.memory_space<semaphore_mem>>)
    %dma_wait3A_69 = arith.constant 0 : i32
    %dma_wait3A_70 = tpu.memref_slice %arg6[%add3A_40, %dma_wait3A_69] : memref<16384x64xi32, #tpu.memory_space<hbm>> -> memref<128x64xi32, #tpu.memory_space<hbm>>
    %dma_wait3A_71 = arith.constant 0 : i32
    %dma_wait3A_72 = tpu.memref_slice %arg6[%add3A_40, %dma_wait3A_71] : memref<16384x64xi32, #tpu.memory_space<hbm>> -> memref<128x64xi32, #tpu.memory_space<hbm>>
    tpu.wait_dma2 semaphore(%arg15 : memref<!tpu.dma_semaphore, #tpu.memory_space<semaphore_mem>>) src(%arg11 : memref<128x64xi32, #tpu.memory_space<vmem>>) dst(%dma_wait3A_72 : memref<128x64xi32, #tpu.memory_space<hbm>>)
    %dma_start3A_73 = arith.constant 3 : i32
    %dma_start3A_74 = arith.constant 0 : i32
    %dma_start3A_75 = tpu.memref_slice %arg8[%dma_start3A_73, %dma_start3A_74] : memref<4x128xi32, #tpu.memory_space<vmem>> -> memref<1x128xi32, #tpu.memory_space<vmem>>
    %dma_start3A_76 = tpu.memref_squeeze %dma_start3A_75 : memref<1x128xi32, #tpu.memory_space<vmem>> -> memref<128xi32, #tpu.memory_space<vmem>>
    %dma_start3A_77 = arith.constant 0 : i32
    %dma_start3A_78 = arith.constant 0 : i32
    %dma_start3A_79 = tpu.memref_slice %arg4[%dma_start3A_77, %dma_start3A_78] : memref<1015808x64xi32, #tpu.memory_space<hbm>> -> memref<1015808x64xi32, #tpu.memory_space<hbm>>
    tpu.enqueue_indirect_dma source(%dma_start3A_79 : memref<1015808x64xi32, #tpu.memory_space<hbm>>) target(%arg11 : memref<128x64xi32, #tpu.memory_space<vmem>>) offsets(%dma_start3A_76 : memref<128xi32, #tpu.memory_space<vmem>>) semaphore(%arg13 : memref<!tpu.dma_semaphore, #tpu.memory_space<semaphore_mem>>)
    %dma_wait3A_80 = arith.constant 3 : i32
    %dma_wait3A_81 = arith.constant 0 : i32
    %dma_wait3A_82 = tpu.memref_slice %arg8[%dma_wait3A_80, %dma_wait3A_81] : memref<4x128xi32, #tpu.memory_space<vmem>> -> memref<1x128xi32, #tpu.memory_space<vmem>>
    %dma_wait3A_83 = tpu.memref_squeeze %dma_wait3A_82 : memref<1x128xi32, #tpu.memory_space<vmem>> -> memref<128xi32, #tpu.memory_space<vmem>>
    %dma_wait3A_84 = arith.constant 0 : i32
    %dma_wait3A_85 = arith.constant 0 : i32
    %dma_wait3A_86 = tpu.memref_slice %arg4[%dma_wait3A_84, %dma_wait3A_85] : memref<1015808x64xi32, #tpu.memory_space<hbm>> -> memref<1015808x64xi32, #tpu.memory_space<hbm>>
    tpu.wait_indirect_dma semaphore(%arg13 : memref<!tpu.dma_semaphore, #tpu.memory_space<semaphore_mem>>) src(%dma_wait3A_86 : memref<1015808x64xi32, #tpu.memory_space<hbm>>) dst(%arg11 : memref<128x64xi32, #tpu.memory_space<vmem>>)
    %add3A_87 = arith.constant 384 : i32
    %add3A_88 = arith.addi %mul3A_2, %add3A_87 : i32
    %dma_start3A_89 = arith.constant 0 : i32
    %dma_start3A_90 = tpu.memref_slice %arg6[%add3A_88, %dma_start3A_89] : memref<16384x64xi32, #tpu.memory_space<hbm>> -> memref<128x64xi32, #tpu.memory_space<hbm>>
    %dma_start3A_91 = arith.constant 0 : i32
    %dma_start3A_92 = tpu.memref_slice %arg6[%add3A_88, %dma_start3A_91] : memref<16384x64xi32, #tpu.memory_space<hbm>> -> memref<128x64xi32, #tpu.memory_space<hbm>>
    tpu.enqueue_dma source(%arg11 : memref<128x64xi32, #tpu.memory_space<vmem>>) target(%dma_start3A_92 : memref<128x64xi32, #tpu.memory_space<hbm>>) target_semaphore(%arg15 : memref<!tpu.dma_semaphore, #tpu.memory_space<semaphore_mem>>)
    %dma_wait3A_93 = arith.constant 0 : i32
    %dma_wait3A_94 = tpu.memref_slice %arg6[%add3A_64, %dma_wait3A_93] : memref<16384x64xi32, #tpu.memory_space<hbm>> -> memref<128x64xi32, #tpu.memory_space<hbm>>
    %dma_wait3A_95 = arith.constant 0 : i32
    %dma_wait3A_96 = tpu.memref_slice %arg6[%add3A_64, %dma_wait3A_95] : memref<16384x64xi32, #tpu.memory_space<hbm>> -> memref<128x64xi32, #tpu.memory_space<hbm>>
    tpu.wait_dma2 semaphore(%arg14 : memref<!tpu.dma_semaphore, #tpu.memory_space<semaphore_mem>>) src(%arg10 : memref<128x64xi32, #tpu.memory_space<vmem>>) dst(%dma_wait3A_96 : memref<128x64xi32, #tpu.memory_space<hbm>>)
    %dma_start3A_97 = arith.constant 0 : i32
    %dma_start3A_98 = arith.constant 0 : i32
    %dma_start3A_99 = tpu.memref_slice %arg9[%dma_start3A_97, %dma_start3A_98] : memref<4x128xi32, #tpu.memory_space<vmem>> -> memref<1x128xi32, #tpu.memory_space<vmem>>
    %dma_start3A_100 = tpu.memref_squeeze %dma_start3A_99 : memref<1x128xi32, #tpu.memory_space<vmem>> -> memref<128xi32, #tpu.memory_space<vmem>>
    %dma_start3A_101 = arith.constant 0 : i32
    %dma_start3A_102 = arith.constant 0 : i32
    %dma_start3A_103 = tpu.memref_slice %arg5[%dma_start3A_101, %dma_start3A_102] : memref<114688x64xi32, #tpu.memory_space<hbm>> -> memref<114688x64xi32, #tpu.memory_space<hbm>>
    tpu.enqueue_indirect_dma source(%dma_start3A_103 : memref<114688x64xi32, #tpu.memory_space<hbm>>) target(%arg10 : memref<128x64xi32, #tpu.memory_space<vmem>>) offsets(%dma_start3A_100 : memref<128xi32, #tpu.memory_space<vmem>>) semaphore(%arg12 : memref<!tpu.dma_semaphore, #tpu.memory_space<semaphore_mem>>)
    %dma_wait3A_104 = arith.constant 0 : i32
    %dma_wait3A_105 = arith.constant 0 : i32
    %dma_wait3A_106 = tpu.memref_slice %arg9[%dma_wait3A_104, %dma_wait3A_105] : memref<4x128xi32, #tpu.memory_space<vmem>> -> memref<1x128xi32, #tpu.memory_space<vmem>>
    %dma_wait3A_107 = tpu.memref_squeeze %dma_wait3A_106 : memref<1x128xi32, #tpu.memory_space<vmem>> -> memref<128xi32, #tpu.memory_space<vmem>>
    %dma_wait3A_108 = arith.constant 0 : i32
    %dma_wait3A_109 = arith.constant 0 : i32
    %dma_wait3A_110 = tpu.memref_slice %arg5[%dma_wait3A_108, %dma_wait3A_109] : memref<114688x64xi32, #tpu.memory_space<hbm>> -> memref<114688x64xi32, #tpu.memory_space<hbm>>
    tpu.wait_indirect_dma semaphore(%arg12 : memref<!tpu.dma_semaphore, #tpu.memory_space<semaphore_mem>>) src(%dma_wait3A_110 : memref<114688x64xi32, #tpu.memory_space<hbm>>) dst(%arg10 : memref<128x64xi32, #tpu.memory_space<vmem>>)
    %add3A_111 = arith.constant 0 : i32
    %add3A_112 = arith.addi %mul3A_2, %add3A_111 : i32
    %dma_start3A_113 = arith.constant 0 : i32
    %dma_start3A_114 = tpu.memref_slice %arg7[%add3A_112, %dma_start3A_113] : memref<16384x64xi32, #tpu.memory_space<hbm>> -> memref<128x64xi32, #tpu.memory_space<hbm>>
    %dma_start3A_115 = arith.constant 0 : i32
    %dma_start3A_116 = tpu.memref_slice %arg7[%add3A_112, %dma_start3A_115] : memref<16384x64xi32, #tpu.memory_space<hbm>> -> memref<128x64xi32, #tpu.memory_space<hbm>>
    tpu.enqueue_dma source(%arg10 : memref<128x64xi32, #tpu.memory_space<vmem>>) target(%dma_start3A_116 : memref<128x64xi32, #tpu.memory_space<hbm>>) target_semaphore(%arg14 : memref<!tpu.dma_semaphore, #tpu.memory_space<semaphore_mem>>)
    %dma_wait3A_117 = arith.constant 0 : i32
    %dma_wait3A_118 = tpu.memref_slice %arg6[%add3A_88, %dma_wait3A_117] : memref<16384x64xi32, #tpu.memory_space<hbm>> -> memref<128x64xi32, #tpu.memory_space<hbm>>
    %dma_wait3A_119 = arith.constant 0 : i32
    %dma_wait3A_120 = tpu.memref_slice %arg6[%add3A_88, %dma_wait3A_119] : memref<16384x64xi32, #tpu.memory_space<hbm>> -> memref<128x64xi32, #tpu.memory_space<hbm>>
    tpu.wait_dma2 semaphore(%arg15 : memref<!tpu.dma_semaphore, #tpu.memory_space<semaphore_mem>>) src(%arg11 : memref<128x64xi32, #tpu.memory_space<vmem>>) dst(%dma_wait3A_120 : memref<128x64xi32, #tpu.memory_space<hbm>>)
    %dma_start3A_121 = arith.constant 1 : i32
    %dma_start3A_122 = arith.constant 0 : i32
    %dma_start3A_123 = tpu.memref_slice %arg9[%dma_start3A_121, %dma_start3A_122] : memref<4x128xi32, #tpu.memory_space<vmem>> -> memref<1x128xi32, #tpu.memory_space<vmem>>
    %dma_start3A_124 = tpu.memref_squeeze %dma_start3A_123 : memref<1x128xi32, #tpu.memory_space<vmem>> -> memref<128xi32, #tpu.memory_space<vmem>>
    %dma_start3A_125 = arith.constant 0 : i32
    %dma_start3A_126 = arith.constant 0 : i32
    %dma_start3A_127 = tpu.memref_slice %arg5[%dma_start3A_125, %dma_start3A_126] : memref<114688x64xi32, #tpu.memory_space<hbm>> -> memref<114688x64xi32, #tpu.memory_space<hbm>>
    tpu.enqueue_indirect_dma source(%dma_start3A_127 : memref<114688x64xi32, #tpu.memory_space<hbm>>) target(%arg11 : memref<128x64xi32, #tpu.memory_space<vmem>>) offsets(%dma_start3A_124 : memref<128xi32, #tpu.memory_space<vmem>>) semaphore(%arg13 : memref<!tpu.dma_semaphore, #tpu.memory_space<semaphore_mem>>)
    %dma_wait3A_128 = arith.constant 1 : i32
    %dma_wait3A_129 = arith.constant 0 : i32
    %dma_wait3A_130 = tpu.memref_slice %arg9[%dma_wait3A_128, %dma_wait3A_129] : memref<4x128xi32, #tpu.memory_space<vmem>> -> memref<1x128xi32, #tpu.memory_space<vmem>>
    %dma_wait3A_131 = tpu.memref_squeeze %dma_wait3A_130 : memref<1x128xi32, #tpu.memory_space<vmem>> -> memref<128xi32, #tpu.memory_space<vmem>>
    %dma_wait3A_132 = arith.constant 0 : i32
    %dma_wait3A_133 = arith.constant 0 : i32
    %dma_wait3A_134 = tpu.memref_slice %arg5[%dma_wait3A_132, %dma_wait3A_133] : memref<114688x64xi32, #tpu.memory_space<hbm>> -> memref<114688x64xi32, #tpu.memory_space<hbm>>
    tpu.wait_indirect_dma semaphore(%arg13 : memref<!tpu.dma_semaphore, #tpu.memory_space<semaphore_mem>>) src(%dma_wait3A_134 : memref<114688x64xi32, #tpu.memory_space<hbm>>) dst(%arg11 : memref<128x64xi32, #tpu.memory_space<vmem>>)
    %add3A_135 = arith.constant 128 : i32
    %add3A_136 = arith.addi %mul3A_2, %add3A_135 : i32
    %dma_start3A_137 = arith.constant 0 : i32
    %dma_start3A_138 = tpu.memref_slice %arg7[%add3A_136, %dma_start3A_137] : memref<16384x64xi32, #tpu.memory_space<hbm>> -> memref<128x64xi32, #tpu.memory_space<hbm>>
    %dma_start3A_139 = arith.constant 0 : i32
    %dma_start3A_140 = tpu.memref_slice %arg7[%add3A_136, %dma_start3A_139] : memref<16384x64xi32, #tpu.memory_space<hbm>> -> memref<128x64xi32, #tpu.memory_space<hbm>>
    tpu.enqueue_dma source(%arg11 : memref<128x64xi32, #tpu.memory_space<vmem>>) target(%dma_start3A_140 : memref<128x64xi32, #tpu.memory_space<hbm>>) target_semaphore(%arg15 : memref<!tpu.dma_semaphore, #tpu.memory_space<semaphore_mem>>)
    %dma_wait3A_141 = arith.constant 0 : i32
    %dma_wait3A_142 = tpu.memref_slice %arg7[%add3A_112, %dma_wait3A_141] : memref<16384x64xi32, #tpu.memory_space<hbm>> -> memref<128x64xi32, #tpu.memory_space<hbm>>
    %dma_wait3A_143 = arith.constant 0 : i32
    %dma_wait3A_144 = tpu.memref_slice %arg7[%add3A_112, %dma_wait3A_143] : memref<16384x64xi32, #tpu.memory_space<hbm>> -> memref<128x64xi32, #tpu.memory_space<hbm>>
    tpu.wait_dma2 semaphore(%arg14 : memref<!tpu.dma_semaphore, #tpu.memory_space<semaphore_mem>>) src(%arg10 : memref<128x64xi32, #tpu.memory_space<vmem>>) dst(%dma_wait3A_144 : memref<128x64xi32, #tpu.memory_space<hbm>>)
    %dma_start3A_145 = arith.constant 2 : i32
    %dma_start3A_146 = arith.constant 0 : i32
    %dma_start3A_147 = tpu.memref_slice %arg9[%dma_start3A_145, %dma_start3A_146] : memref<4x128xi32, #tpu.memory_space<vmem>> -> memref<1x128xi32, #tpu.memory_space<vmem>>
    %dma_start3A_148 = tpu.memref_squeeze %dma_start3A_147 : memref<1x128xi32, #tpu.memory_space<vmem>> -> memref<128xi32, #tpu.memory_space<vmem>>
    %dma_start3A_149 = arith.constant 0 : i32
    %dma_start3A_150 = arith.constant 0 : i32
    %dma_start3A_151 = tpu.memref_slice %arg5[%dma_start3A_149, %dma_start3A_150] : memref<114688x64xi32, #tpu.memory_space<hbm>> -> memref<114688x64xi32, #tpu.memory_space<hbm>>
    tpu.enqueue_indirect_dma source(%dma_start3A_151 : memref<114688x64xi32, #tpu.memory_space<hbm>>) target(%arg10 : memref<128x64xi32, #tpu.memory_space<vmem>>) offsets(%dma_start3A_148 : memref<128xi32, #tpu.memory_space<vmem>>) semaphore(%arg12 : memref<!tpu.dma_semaphore, #tpu.memory_space<semaphore_mem>>)
    %dma_wait3A_152 = arith.constant 2 : i32
    %dma_wait3A_153 = arith.constant 0 : i32
    %dma_wait3A_154 = tpu.memref_slice %arg9[%dma_wait3A_152, %dma_wait3A_153] : memref<4x128xi32, #tpu.memory_space<vmem>> -> memref<1x128xi32, #tpu.memory_space<vmem>>
    %dma_wait3A_155 = tpu.memref_squeeze %dma_wait3A_154 : memref<1x128xi32, #tpu.memory_space<vmem>> -> memref<128xi32, #tpu.memory_space<vmem>>
    %dma_wait3A_156 = arith.constant 0 : i32
    %dma_wait3A_157 = arith.constant 0 : i32
    %dma_wait3A_158 = tpu.memref_slice %arg5[%dma_wait3A_156, %dma_wait3A_157] : memref<114688x64xi32, #tpu.memory_space<hbm>> -> memref<114688x64xi32, #tpu.memory_space<hbm>>
    tpu.wait_indirect_dma semaphore(%arg12 : memref<!tpu.dma_semaphore, #tpu.memory_space<semaphore_mem>>) src(%dma_wait3A_158 : memref<114688x64xi32, #tpu.memory_space<hbm>>) dst(%arg10 : memref<128x64xi32, #tpu.memory_space<vmem>>)
    %add3A_159 = arith.constant 256 : i32
    %add3A_160 = arith.addi %mul3A_2, %add3A_159 : i32
    %dma_start3A_161 = arith.constant 0 : i32
    %dma_start3A_162 = tpu.memref_slice %arg7[%add3A_160, %dma_start3A_161] : memref<16384x64xi32, #tpu.memory_space<hbm>> -> memref<128x64xi32, #tpu.memory_space<hbm>>
    %dma_start3A_163 = arith.constant 0 : i32
    %dma_start3A_164 = tpu.memref_slice %arg7[%add3A_160, %dma_start3A_163] : memref<16384x64xi32, #tpu.memory_space<hbm>> -> memref<128x64xi32, #tpu.memory_space<hbm>>
    tpu.enqueue_dma source(%arg10 : memref<128x64xi32, #tpu.memory_space<vmem>>) target(%dma_start3A_164 : memref<128x64xi32, #tpu.memory_space<hbm>>) target_semaphore(%arg14 : memref<!tpu.dma_semaphore, #tpu.memory_space<semaphore_mem>>)
    %dma_wait3A_165 = arith.constant 0 : i32
    %dma_wait3A_166 = tpu.memref_slice %arg7[%add3A_136, %dma_wait3A_165] : memref<16384x64xi32, #tpu.memory_space<hbm>> -> memref<128x64xi32, #tpu.memory_space<hbm>>
    %dma_wait3A_167 = arith.constant 0 : i32
    %dma_wait3A_168 = tpu.memref_slice %arg7[%add3A_136, %dma_wait3A_167] : memref<16384x64xi32, #tpu.memory_space<hbm>> -> memref<128x64xi32, #tpu.memory_space<hbm>>
    tpu.wait_dma2 semaphore(%arg15 : memref<!tpu.dma_semaphore, #tpu.memory_space<semaphore_mem>>) src(%arg11 : memref<128x64xi32, #tpu.memory_space<vmem>>) dst(%dma_wait3A_168 : memref<128x64xi32, #tpu.memory_space<hbm>>)
    %dma_start3A_169 = arith.constant 3 : i32
    %dma_start3A_170 = arith.constant 0 : i32
    %dma_start3A_171 = tpu.memref_slice %arg9[%dma_start3A_169, %dma_start3A_170] : memref<4x128xi32, #tpu.memory_space<vmem>> -> memref<1x128xi32, #tpu.memory_space<vmem>>
    %dma_start3A_172 = tpu.memref_squeeze %dma_start3A_171 : memref<1x128xi32, #tpu.memory_space<vmem>> -> memref<128xi32, #tpu.memory_space<vmem>>
    %dma_start3A_173 = arith.constant 0 : i32
    %dma_start3A_174 = arith.constant 0 : i32
    %dma_start3A_175 = tpu.memref_slice %arg5[%dma_start3A_173, %dma_start3A_174] : memref<114688x64xi32, #tpu.memory_space<hbm>> -> memref<114688x64xi32, #tpu.memory_space<hbm>>
    tpu.enqueue_indirect_dma source(%dma_start3A_175 : memref<114688x64xi32, #tpu.memory_space<hbm>>) target(%arg11 : memref<128x64xi32, #tpu.memory_space<vmem>>) offsets(%dma_start3A_172 : memref<128xi32, #tpu.memory_space<vmem>>) semaphore(%arg13 : memref<!tpu.dma_semaphore, #tpu.memory_space<semaphore_mem>>)
    %dma_wait3A_176 = arith.constant 3 : i32
    %dma_wait3A_177 = arith.constant 0 : i32
    %dma_wait3A_178 = tpu.memref_slice %arg9[%dma_wait3A_176, %dma_wait3A_177] : memref<4x128xi32, #tpu.memory_space<vmem>> -> memref<1x128xi32, #tpu.memory_space<vmem>>
    %dma_wait3A_179 = tpu.memref_squeeze %dma_wait3A_178 : memref<1x128xi32, #tpu.memory_space<vmem>> -> memref<128xi32, #tpu.memory_space<vmem>>
    %dma_wait3A_180 = arith.constant 0 : i32
    %dma_wait3A_181 = arith.constant 0 : i32
    %dma_wait3A_182 = tpu.memref_slice %arg5[%dma_wait3A_180, %dma_wait3A_181] : memref<114688x64xi32, #tpu.memory_space<hbm>> -> memref<114688x64xi32, #tpu.memory_space<hbm>>
    tpu.wait_indirect_dma semaphore(%arg13 : memref<!tpu.dma_semaphore, #tpu.memory_space<semaphore_mem>>) src(%dma_wait3A_182 : memref<114688x64xi32, #tpu.memory_space<hbm>>) dst(%arg11 : memref<128x64xi32, #tpu.memory_space<vmem>>)
    %add3A_183 = arith.constant 384 : i32
    %add3A_184 = arith.addi %mul3A_2, %add3A_183 : i32
    %dma_start3A_185 = arith.constant 0 : i32
    %dma_start3A_186 = tpu.memref_slice %arg7[%add3A_184, %dma_start3A_185] : memref<16384x64xi32, #tpu.memory_space<hbm>> -> memref<128x64xi32, #tpu.memory_space<hbm>>
    %dma_start3A_187 = arith.constant 0 : i32
    %dma_start3A_188 = tpu.memref_slice %arg7[%add3A_184, %dma_start3A_187] : memref<16384x64xi32, #tpu.memory_space<hbm>> -> memref<128x64xi32, #tpu.memory_space<hbm>>
    tpu.enqueue_dma source(%arg11 : memref<128x64xi32, #tpu.memory_space<vmem>>) target(%dma_start3A_188 : memref<128x64xi32, #tpu.memory_space<hbm>>) target_semaphore(%arg15 : memref<!tpu.dma_semaphore, #tpu.memory_space<semaphore_mem>>)
    %dma_wait3A_189 = arith.constant 0 : i32
    %dma_wait3A_190 = tpu.memref_slice %arg7[%add3A_160, %dma_wait3A_189] : memref<16384x64xi32, #tpu.memory_space<hbm>> -> memref<128x64xi32, #tpu.memory_space<hbm>>
    %dma_wait3A_191 = arith.constant 0 : i32
    %dma_wait3A_192 = tpu.memref_slice %arg7[%add3A_160, %dma_wait3A_191] : memref<16384x64xi32, #tpu.memory_space<hbm>> -> memref<128x64xi32, #tpu.memory_space<hbm>>
    tpu.wait_dma2 semaphore(%arg14 : memref<!tpu.dma_semaphore, #tpu.memory_space<semaphore_mem>>) src(%arg10 : memref<128x64xi32, #tpu.memory_space<vmem>>) dst(%dma_wait3A_192 : memref<128x64xi32, #tpu.memory_space<hbm>>)
    %dma_wait3A_193 = arith.constant 0 : i32
    %dma_wait3A_194 = tpu.memref_slice %arg7[%add3A_184, %dma_wait3A_193] : memref<16384x64xi32, #tpu.memory_space<hbm>> -> memref<128x64xi32, #tpu.memory_space<hbm>>
    %dma_wait3A_195 = arith.constant 0 : i32
    %dma_wait3A_196 = tpu.memref_slice %arg7[%add3A_184, %dma_wait3A_195] : memref<16384x64xi32, #tpu.memory_space<hbm>> -> memref<128x64xi32, #tpu.memory_space<hbm>>
    tpu.wait_dma2 semaphore(%arg15 : memref<!tpu.dma_semaphore, #tpu.memory_space<semaphore_mem>>) src(%arg11 : memref<128x64xi32, #tpu.memory_space<vmem>>) dst(%dma_wait3A_196 : memref<128x64xi32, #tpu.memory_space<hbm>>)
    return
  }
}

module attributes {stable_mosaic.version = 14 : i64} {
  func.func @_xpose_body(%arg0: i32, %arg1: memref<64x16384xf32, #tpu.memory_space<vmem>>, %arg2: memref<64x16384xf32, #tpu.memory_space<vmem>>, %arg3: memref<8192x128xi32, #tpu.memory_space<vmem>>) attributes {dimension_semantics = [#tpu.dimension_semantics<arbitrary>], iteration_bounds = array<i64: 7>, scalar_prefetch = 0 : i64, scratch_operands = 0 : i64, tpu.core_type = #tpu.core_type<tc>, window_params = [{transform_indices = @transform_0, window_bounds = array<i64: 64, 16384>}, {transform_indices = @transform_1, window_bounds = array<i64: 64, 16384>}, {transform_indices = @transform_2, window_bounds = array<i64: 8192, 128>}]} {
    %get3A = arith.constant 0 : index
    %get3A_0 = arith.constant 0 : index
    %get3A_1 = vector.load %arg1[%get3A, %get3A_0] : memref<64x16384xf32, #tpu.memory_space<vmem>>, vector<64x16384xf32>
    %get3A_2 = arith.constant 0 : index
    %get3A_3 = arith.constant 0 : index
    %get3A_4 = vector.load %arg2[%get3A_2, %get3A_3] : memref<64x16384xf32, #tpu.memory_space<vmem>>, vector<64x16384xf32>
    %slice3A = vector.extract_strided_slice %get3A_1 {offsets = [0, 0], sizes = [64, 8192], strides = [1, 1]} : vector<64x16384xf32> to vector<64x8192xf32>
    %slice3A_5 = vector.extract_strided_slice %get3A_4 {offsets = [0, 0], sizes = [64, 8192], strides = [1, 1]} : vector<64x16384xf32> to vector<64x8192xf32>
    %convert_element_type3A = arith.truncf %slice3A : vector<64x8192xf32> to vector<64x8192xbf16>
    %transpose3A = tpu.transpose %convert_element_type3A, [1, 0] : vector<64x8192xbf16> -> vector<8192x64xbf16>
    %bitcast_convert_type3A = tpu.bitcast %transpose3A : vector<8192x64xbf16> -> vector<8192x64xi16>
    %convert_element_type3A_6 = arith.extui %bitcast_convert_type3A : vector<8192x64xi16> to vector<8192x64xi32>
    %convert_element_type3A_7 = arith.truncf %slice3A_5 : vector<64x8192xf32> to vector<64x8192xbf16>
    %transpose3A_8 = tpu.transpose %convert_element_type3A_7, [1, 0] : vector<64x8192xbf16> -> vector<8192x64xbf16>
    %bitcast_convert_type3A_9 = tpu.bitcast %transpose3A_8 : vector<8192x64xbf16> -> vector<8192x64xi16>
    %convert_element_type3A_10 = arith.extui %bitcast_convert_type3A_9 : vector<8192x64xi16> to vector<8192x64xi32>
    %shift_left3A = arith.constant 16 : i32
    %shift_left3A_11 = vector.broadcast %shift_left3A : i32 to vector<8192x64xi32>
    %shift_left3A_12 = arith.shli %convert_element_type3A_6, %shift_left3A_11 : vector<8192x64xi32>
    %or3A = arith.ori %shift_left3A_12, %convert_element_type3A_10 : vector<8192x64xi32>
    %slice3A_13 = vector.extract_strided_slice %get3A_1 {offsets = [0, 8192], sizes = [64, 8192], strides = [1, 1]} : vector<64x16384xf32> to vector<64x8192xf32>
    %slice3A_14 = vector.extract_strided_slice %get3A_4 {offsets = [0, 8192], sizes = [64, 8192], strides = [1, 1]} : vector<64x16384xf32> to vector<64x8192xf32>
    %convert_element_type3A_15 = arith.truncf %slice3A_13 : vector<64x8192xf32> to vector<64x8192xbf16>
    %transpose3A_16 = tpu.transpose %convert_element_type3A_15, [1, 0] : vector<64x8192xbf16> -> vector<8192x64xbf16>
    %bitcast_convert_type3A_17 = tpu.bitcast %transpose3A_16 : vector<8192x64xbf16> -> vector<8192x64xi16>
    %convert_element_type3A_18 = arith.extui %bitcast_convert_type3A_17 : vector<8192x64xi16> to vector<8192x64xi32>
    %convert_element_type3A_19 = arith.truncf %slice3A_14 : vector<64x8192xf32> to vector<64x8192xbf16>
    %transpose3A_20 = tpu.transpose %convert_element_type3A_19, [1, 0] : vector<64x8192xbf16> -> vector<8192x64xbf16>
    %bitcast_convert_type3A_21 = tpu.bitcast %transpose3A_20 : vector<8192x64xbf16> -> vector<8192x64xi16>
    %convert_element_type3A_22 = arith.extui %bitcast_convert_type3A_21 : vector<8192x64xi16> to vector<8192x64xi32>
    %shift_left3A_23 = arith.constant 16 : i32
    %shift_left3A_24 = vector.broadcast %shift_left3A_23 : i32 to vector<8192x64xi32>
    %shift_left3A_25 = arith.shli %convert_element_type3A_18, %shift_left3A_24 : vector<8192x64xi32>
    %or3A_26 = arith.ori %shift_left3A_25, %convert_element_type3A_22 : vector<8192x64xi32>
    %concatenate3A = tpu.concatenate %or3A, %or3A_26 in 1 : vector<8192x64xi32>, vector<8192x64xi32> -> vector<8192x128xi32>
    %bitcast_convert_type3A_27 = tpu.bitcast %concatenate3A : vector<8192x128xi32> -> vector<8192x128xi32>
    %swap3A = arith.constant 0 : index
    %swap3A_28 = arith.constant 0 : index
    %swap3A_29 = vector.load %arg3[%swap3A, %swap3A_28] : memref<8192x128xi32, #tpu.memory_space<vmem>>, vector<8192x128xi32>
    tpu.vector_store %arg3[%swap3A, %swap3A_28], %bitcast_convert_type3A_27 {strides = array<i32>} : memref<8192x128xi32, #tpu.memory_space<vmem>>, vector<8192x128xi32>,
    return
  }
  func.func @transform_0(%arg0: i32) -> (i32, i32) {
    %c0_i32 = arith.constant 0 : i32
    %c0_i32_0 = arith.constant 0 : i32
    return %c0_i32, %arg0 : i32, i32
  }
  func.func @transform_1(%arg0: i32) -> (i32, i32) {
    %c0_i32 = arith.constant 0 : i32
    %c0_i32_0 = arith.constant 0 : i32
    return %c0_i32, %arg0 : i32, i32
  }
  func.func @transform_2(%arg0: i32) -> (i32, i32) {
    %c0_i32 = arith.constant 0 : i32
    %c0_i32_0 = arith.constant 0 : i32
    return %arg0, %c0_i32 : i32, i32
  }
}

module attributes {stable_mosaic.version = 14 : i64} {
  func.func @_xpose_body(%arg0: i32, %arg1: memref<64x16384xf32, #tpu.memory_space<vmem>>, %arg2: memref<64x16384xf32, #tpu.memory_space<vmem>>, %arg3: memref<8192x128xi32, #tpu.memory_space<vmem>>) attributes {dimension_semantics = [#tpu.dimension_semantics<arbitrary>], iteration_bounds = array<i64: 62>, scalar_prefetch = 0 : i64, scratch_operands = 0 : i64, tpu.core_type = #tpu.core_type<tc>, window_params = [{transform_indices = @transform_0, window_bounds = array<i64: 64, 16384>}, {transform_indices = @transform_1, window_bounds = array<i64: 64, 16384>}, {transform_indices = @transform_2, window_bounds = array<i64: 8192, 128>}]} {
    %get3A = arith.constant 0 : index
    %get3A_0 = arith.constant 0 : index
    %get3A_1 = vector.load %arg1[%get3A, %get3A_0] : memref<64x16384xf32, #tpu.memory_space<vmem>>, vector<64x16384xf32>
    %get3A_2 = arith.constant 0 : index
    %get3A_3 = arith.constant 0 : index
    %get3A_4 = vector.load %arg2[%get3A_2, %get3A_3] : memref<64x16384xf32, #tpu.memory_space<vmem>>, vector<64x16384xf32>
    %slice3A = vector.extract_strided_slice %get3A_1 {offsets = [0, 0], sizes = [64, 8192], strides = [1, 1]} : vector<64x16384xf32> to vector<64x8192xf32>
    %slice3A_5 = vector.extract_strided_slice %get3A_4 {offsets = [0, 0], sizes = [64, 8192], strides = [1, 1]} : vector<64x16384xf32> to vector<64x8192xf32>
    %convert_element_type3A = arith.truncf %slice3A : vector<64x8192xf32> to vector<64x8192xbf16>
    %transpose3A = tpu.transpose %convert_element_type3A, [1, 0] : vector<64x8192xbf16> -> vector<8192x64xbf16>
    %bitcast_convert_type3A = tpu.bitcast %transpose3A : vector<8192x64xbf16> -> vector<8192x64xi16>
    %convert_element_type3A_6 = arith.extui %bitcast_convert_type3A : vector<8192x64xi16> to vector<8192x64xi32>
    %convert_element_type3A_7 = arith.truncf %slice3A_5 : vector<64x8192xf32> to vector<64x8192xbf16>
    %transpose3A_8 = tpu.transpose %convert_element_type3A_7, [1, 0] : vector<64x8192xbf16> -> vector<8192x64xbf16>
    %bitcast_convert_type3A_9 = tpu.bitcast %transpose3A_8 : vector<8192x64xbf16> -> vector<8192x64xi16>
    %convert_element_type3A_10 = arith.extui %bitcast_convert_type3A_9 : vector<8192x64xi16> to vector<8192x64xi32>
    %shift_left3A = arith.constant 16 : i32
    %shift_left3A_11 = vector.broadcast %shift_left3A : i32 to vector<8192x64xi32>
    %shift_left3A_12 = arith.shli %convert_element_type3A_6, %shift_left3A_11 : vector<8192x64xi32>
    %or3A = arith.ori %shift_left3A_12, %convert_element_type3A_10 : vector<8192x64xi32>
    %slice3A_13 = vector.extract_strided_slice %get3A_1 {offsets = [0, 8192], sizes = [64, 8192], strides = [1, 1]} : vector<64x16384xf32> to vector<64x8192xf32>
    %slice3A_14 = vector.extract_strided_slice %get3A_4 {offsets = [0, 8192], sizes = [64, 8192], strides = [1, 1]} : vector<64x16384xf32> to vector<64x8192xf32>
    %convert_element_type3A_15 = arith.truncf %slice3A_13 : vector<64x8192xf32> to vector<64x8192xbf16>
    %transpose3A_16 = tpu.transpose %convert_element_type3A_15, [1, 0] : vector<64x8192xbf16> -> vector<8192x64xbf16>
    %bitcast_convert_type3A_17 = tpu.bitcast %transpose3A_16 : vector<8192x64xbf16> -> vector<8192x64xi16>
    %convert_element_type3A_18 = arith.extui %bitcast_convert_type3A_17 : vector<8192x64xi16> to vector<8192x64xi32>
    %convert_element_type3A_19 = arith.truncf %slice3A_14 : vector<64x8192xf32> to vector<64x8192xbf16>
    %transpose3A_20 = tpu.transpose %convert_element_type3A_19, [1, 0] : vector<64x8192xbf16> -> vector<8192x64xbf16>
    %bitcast_convert_type3A_21 = tpu.bitcast %transpose3A_20 : vector<8192x64xbf16> -> vector<8192x64xi16>
    %convert_element_type3A_22 = arith.extui %bitcast_convert_type3A_21 : vector<8192x64xi16> to vector<8192x64xi32>
    %shift_left3A_23 = arith.constant 16 : i32
    %shift_left3A_24 = vector.broadcast %shift_left3A_23 : i32 to vector<8192x64xi32>
    %shift_left3A_25 = arith.shli %convert_element_type3A_18, %shift_left3A_24 : vector<8192x64xi32>
    %or3A_26 = arith.ori %shift_left3A_25, %convert_element_type3A_22 : vector<8192x64xi32>
    %concatenate3A = tpu.concatenate %or3A, %or3A_26 in 1 : vector<8192x64xi32>, vector<8192x64xi32> -> vector<8192x128xi32>
    %bitcast_convert_type3A_27 = tpu.bitcast %concatenate3A : vector<8192x128xi32> -> vector<8192x128xi32>
    %swap3A = arith.constant 0 : index
    %swap3A_28 = arith.constant 0 : index
    %swap3A_29 = vector.load %arg3[%swap3A, %swap3A_28] : memref<8192x128xi32, #tpu.memory_space<vmem>>, vector<8192x128xi32>
    tpu.vector_store %arg3[%swap3A, %swap3A_28], %bitcast_convert_type3A_27 {strides = array<i32>} : memref<8192x128xi32, #tpu.memory_space<vmem>>, vector<8192x128xi32>,
    return
  }
  func.func @transform_0(%arg0: i32) -> (i32, i32) {
    %c0_i32 = arith.constant 0 : i32
    %c0_i32_0 = arith.constant 0 : i32
    return %c0_i32, %arg0 : i32, i32
  }
  func.func @transform_1(%arg0: i32) -> (i32, i32) {
    %c0_i32 = arith.constant 0 : i32
    %c0_i32_0 = arith.constant 0 : i32
    return %c0_i32, %arg0 : i32, i32
  }
  func.func @transform_2(%arg0: i32) -> (i32, i32) {
    %c0_i32 = arith.constant 0 : i32
    %c0_i32_0 = arith.constant 0 : i32
    return %arg0, %c0_i32 : i32, i32
  }
}

module attributes {stable_mosaic.version = 14 : i64} {
  func.func @_dense_body(%arg0: i32, %arg1: memref<2048x64xi32, #tpu.memory_space<vmem>>, %arg2: memref<2048x64xi32, #tpu.memory_space<vmem>>, %arg3: memref<64x64xf32, #tpu.memory_space<vmem>>, %arg4: memref<64x64xf32, #tpu.memory_space<vmem>>, %arg5: memref<1x64xf32, #tpu.memory_space<vmem>>, %arg6: memref<64x32xf32, #tpu.memory_space<vmem>>, %arg7: memref<1x32xf32, #tpu.memory_space<vmem>>, %arg8: memref<32x16xf32, #tpu.memory_space<vmem>>, %arg9: memref<1x16xf32, #tpu.memory_space<vmem>>, %arg10: memref<64x1xf32, #tpu.memory_space<vmem>>, %arg11: memref<16x1xf32, #tpu.memory_space<vmem>>, %arg12: memref<1x1xf32, #tpu.memory_space<vmem>>, %arg13: memref<2048x1xf32, #tpu.memory_space<vmem>>) attributes {dimension_semantics = [#tpu.dimension_semantics<arbitrary>], iteration_bounds = array<i64: 8>, scalar_prefetch = 0 : i64, scratch_operands = 0 : i64, tpu.core_type = #tpu.core_type<tc>, window_params = [{transform_indices = @transform_0, window_bounds = array<i64: 2048, 64>}, {transform_indices = @transform_1, window_bounds = array<i64: 2048, 64>}, {pipeline_mode = #tpu.pipeline_mode<synchronous>, transform_indices = @transform_2, window_bounds = array<i64: 64, 64>}, {pipeline_mode = #tpu.pipeline_mode<synchronous>, transform_indices = @transform_3, window_bounds = array<i64: 64, 64>}, {pipeline_mode = #tpu.pipeline_mode<synchronous>, transform_indices = @transform_4, window_bounds = array<i64: 1, 64>}, {pipeline_mode = #tpu.pipeline_mode<synchronous>, transform_indices = @transform_5, window_bounds = array<i64: 64, 32>}, {pipeline_mode = #tpu.pipeline_mode<synchronous>, transform_indices = @transform_6, window_bounds = array<i64: 1, 32>}, {pipeline_mode = #tpu.pipeline_mode<synchronous>, transform_indices = @transform_7, window_bounds = array<i64: 32, 16>}, {pipeline_mode = #tpu.pipeline_mode<synchronous>, transform_indices = @transform_8, window_bounds = array<i64: 1, 16>}, {pipeline_mode = #tpu.pipeline_mode<synchronous>, transform_indices = @transform_9, window_bounds = array<i64: 64, 1>}, {pipeline_mode = #tpu.pipeline_mode<synchronous>, transform_indices = @transform_10, window_bounds = array<i64: 16, 1>}, {pipeline_mode = #tpu.pipeline_mode<synchronous>, transform_indices = @transform_11, window_bounds = array<i64: 1, 1>}, {transform_indices = @transform_12, window_bounds = array<i64: 2048, 1>}]} {
    %get3A = arith.constant 0 : index
    %get3A_0 = arith.constant 0 : index
    %get3A_1 = vector.load %arg1[%get3A, %get3A_0] : memref<2048x64xi32, #tpu.memory_space<vmem>>, vector<2048x64xi32>
    %bitcast_convert_type3A = tpu.bitcast %get3A_1 : vector<2048x64xi32> -> vector<2048x64xi32>
    %shift_right_logical3A = arith.constant 16 : i32
    %shift_right_logical3A_2 = vector.broadcast %shift_right_logical3A : i32 to vector<2048x64xi32>
    %shift_right_logical3A_3 = arith.shrui %bitcast_convert_type3A, %shift_right_logical3A_2 : vector<2048x64xi32>
    %shift_left3A = arith.constant 16 : i32
    %shift_left3A_4 = vector.broadcast %shift_left3A : i32 to vector<2048x64xi32>
    %shift_left3A_5 = arith.shli %shift_right_logical3A_3, %shift_left3A_4 : vector<2048x64xi32>
    %bitcast_convert_type3A_6 = tpu.bitcast %shift_left3A_5 : vector<2048x64xi32> -> vector<2048x64xf32>
    %shift_left3A_7 = arith.constant 16 : i32
    %shift_left3A_8 = vector.broadcast %shift_left3A_7 : i32 to vector<2048x64xi32>
    %shift_left3A_9 = arith.shli %bitcast_convert_type3A, %shift_left3A_8 : vector<2048x64xi32>
    %bitcast_convert_type3A_10 = tpu.bitcast %shift_left3A_9 : vector<2048x64xi32> -> vector<2048x64xf32>
    %get3A_11 = arith.constant 0 : index
    %get3A_12 = arith.constant 0 : index
    %get3A_13 = vector.load %arg2[%get3A_11, %get3A_12] : memref<2048x64xi32, #tpu.memory_space<vmem>>, vector<2048x64xi32>
    %bitcast_convert_type3A_14 = tpu.bitcast %get3A_13 : vector<2048x64xi32> -> vector<2048x64xi32>
    %shift_right_logical3A_15 = arith.constant 16 : i32
    %shift_right_logical3A_16 = vector.broadcast %shift_right_logical3A_15 : i32 to vector<2048x64xi32>
    %shift_right_logical3A_17 = arith.shrui %bitcast_convert_type3A_14, %shift_right_logical3A_16 : vector<2048x64xi32>
    %shift_left3A_18 = arith.constant 16 : i32
    %shift_left3A_19 = vector.broadcast %shift_left3A_18 : i32 to vector<2048x64xi32>
    %shift_left3A_20 = arith.shli %shift_right_logical3A_17, %shift_left3A_19 : vector<2048x64xi32>
    %bitcast_convert_type3A_21 = tpu.bitcast %shift_left3A_20 : vector<2048x64xi32> -> vector<2048x64xf32>
    %shift_left3A_22 = arith.constant 16 : i32
    %shift_left3A_23 = vector.broadcast %shift_left3A_22 : i32 to vector<2048x64xi32>
    %shift_left3A_24 = arith.shli %bitcast_convert_type3A_14, %shift_left3A_23 : vector<2048x64xi32>
    %bitcast_convert_type3A_25 = tpu.bitcast %shift_left3A_24 : vector<2048x64xi32> -> vector<2048x64xf32>
    %get3A_26 = arith.constant 0 : index
    %get3A_27 = arith.constant 0 : index
    %get3A_28 = vector.load %arg3[%get3A_26, %get3A_27] : memref<64x64xf32, #tpu.memory_space<vmem>>, vector<64x64xf32>
    %dot_general3A = arith.constant dense<0.000000e+00> : vector<2048x64xf32>
    %dot_general3A_29 = tpu.matmul %bitcast_convert_type3A_10, %get3A_28, %dot_general3A {dimension_numbers = #tpu.dot_dimension_numbers<[1], [0], [0], [1], [0, 0, 1, 1], [], []>, transpose_lhs_hint = false} : vector<2048x64xf32>, vector<64x64xf32>, vector<2048x64xf32> -> vector<2048x64xf32>
    %get3A_30 = arith.constant 0 : index
    %get3A_31 = arith.constant 0 : index
    %get3A_32 = vector.load %arg4[%get3A_30, %get3A_31] : memref<64x64xf32, #tpu.memory_space<vmem>>, vector<64x64xf32>
    %dot_general3A_33 = arith.constant dense<0.000000e+00> : vector<2048x64xf32>
    %dot_general3A_34 = tpu.matmul %bitcast_convert_type3A_25, %get3A_32, %dot_general3A_33 {dimension_numbers = #tpu.dot_dimension_numbers<[1], [0], [0], [1], [0, 0, 1, 1], [], []>, transpose_lhs_hint = false} : vector<2048x64xf32>, vector<64x64xf32>, vector<2048x64xf32> -> vector<2048x64xf32>
    %add3A = arith.addf %dot_general3A_29, %dot_general3A_34 : vector<2048x64xf32>
    %get3A_35 = arith.constant 0 : index
    %get3A_36 = arith.constant 0 : index
    %get3A_37 = vector.load %arg5[%get3A_35, %get3A_36] : memref<1x64xf32, #tpu.memory_space<vmem>>, vector<1x64xf32>
    %add3A_38 = vector.broadcast %get3A_37 : vector<1x64xf32> to vector<2048x64xf32>
    %add3A_39 = arith.addf %add3A, %add3A_38 : vector<2048x64xf32>
    %max3A = arith.constant 0.000000e+00 : f32
    %max3A_40 = vector.broadcast %max3A : f32 to vector<2048x64xf32>
    %max3A_41 = arith.maximumf %add3A_39, %max3A_40 : vector<2048x64xf32>
    %get3A_42 = arith.constant 0 : index
    %get3A_43 = arith.constant 0 : index
    %get3A_44 = vector.load %arg6[%get3A_42, %get3A_43] : memref<64x32xf32, #tpu.memory_space<vmem>>, vector<64x32xf32>
    %dot_general3A_45 = arith.constant dense<0.000000e+00> : vector<2048x32xf32>
    %dot_general3A_46 = tpu.matmul %max3A_41, %get3A_44, %dot_general3A_45 {dimension_numbers = #tpu.dot_dimension_numbers<[1], [0], [0], [1], [0, 0, 1, 1], [], []>, transpose_lhs_hint = false} : vector<2048x64xf32>, vector<64x32xf32>, vector<2048x32xf32> -> vector<2048x32xf32>
    %get3A_47 = arith.constant 0 : index
    %get3A_48 = arith.constant 0 : index
    %get3A_49 = vector.load %arg7[%get3A_47, %get3A_48] : memref<1x32xf32, #tpu.memory_space<vmem>>, vector<1x32xf32>
    %add3A_50 = vector.broadcast %get3A_49 : vector<1x32xf32> to vector<2048x32xf32>
    %add3A_51 = arith.addf %dot_general3A_46, %add3A_50 : vector<2048x32xf32>
    %max3A_52 = arith.constant 0.000000e+00 : f32
    %max3A_53 = vector.broadcast %max3A_52 : f32 to vector<2048x32xf32>
    %max3A_54 = arith.maximumf %add3A_51, %max3A_53 : vector<2048x32xf32>
    %get3A_55 = arith.constant 0 : index
    %get3A_56 = arith.constant 0 : index
    %get3A_57 = vector.load %arg8[%get3A_55, %get3A_56] : memref<32x16xf32, #tpu.memory_space<vmem>>, vector<32x16xf32>
    %dot_general3A_58 = arith.constant dense<0.000000e+00> : vector<2048x16xf32>
    %dot_general3A_59 = tpu.matmul %max3A_54, %get3A_57, %dot_general3A_58 {dimension_numbers = #tpu.dot_dimension_numbers<[1], [0], [0], [1], [0, 0, 1, 1], [], []>, transpose_lhs_hint = false} : vector<2048x32xf32>, vector<32x16xf32>, vector<2048x16xf32> -> vector<2048x16xf32>
    %get3A_60 = arith.constant 0 : index
    %get3A_61 = arith.constant 0 : index
    %get3A_62 = vector.load %arg9[%get3A_60, %get3A_61] : memref<1x16xf32, #tpu.memory_space<vmem>>, vector<1x16xf32>
    %add3A_63 = vector.broadcast %get3A_62 : vector<1x16xf32> to vector<2048x16xf32>
    %add3A_64 = arith.addf %dot_general3A_59, %add3A_63 : vector<2048x16xf32>
    %max3A_65 = arith.constant 0.000000e+00 : f32
    %max3A_66 = vector.broadcast %max3A_65 : f32 to vector<2048x16xf32>
    %max3A_67 = arith.maximumf %add3A_64, %max3A_66 : vector<2048x16xf32>
    %mul3A = arith.mulf %bitcast_convert_type3A_6, %bitcast_convert_type3A_21 : vector<2048x64xf32>
    %get3A_68 = arith.constant 0 : index
    %get3A_69 = arith.constant 0 : index
    %get3A_70 = vector.load %arg10[%get3A_68, %get3A_69] : memref<64x1xf32, #tpu.memory_space<vmem>>, vector<64x1xf32>
    %dot_general3A_71 = arith.constant dense<0.000000e+00> : vector<2048x1xf32>
    %dot_general3A_72 = tpu.matmul %mul3A, %get3A_70, %dot_general3A_71 {dimension_numbers = #tpu.dot_dimension_numbers<[1], [0], [0], [1], [0, 0, 1, 1], [], []>, transpose_lhs_hint = false} : vector<2048x64xf32>, vector<64x1xf32>, vector<2048x1xf32> -> vector<2048x1xf32>
    %get3A_73 = arith.constant 0 : index
    %get3A_74 = arith.constant 0 : index
    %get3A_75 = vector.load %arg11[%get3A_73, %get3A_74] : memref<16x1xf32, #tpu.memory_space<vmem>>, vector<16x1xf32>
    %dot_general3A_76 = arith.constant dense<0.000000e+00> : vector<2048x1xf32>
    %dot_general3A_77 = tpu.matmul %max3A_67, %get3A_75, %dot_general3A_76 {dimension_numbers = #tpu.dot_dimension_numbers<[1], [0], [0], [1], [0, 0, 1, 1], [], []>, transpose_lhs_hint = false} : vector<2048x16xf32>, vector<16x1xf32>, vector<2048x1xf32> -> vector<2048x1xf32>
    %add3A_78 = arith.addf %dot_general3A_72, %dot_general3A_77 : vector<2048x1xf32>
    %get3A_79 = arith.constant 0 : index
    %get3A_80 = arith.constant 0 : index
    %get3A_81 = vector.load %arg12[%get3A_79, %get3A_80] : memref<1x1xf32, #tpu.memory_space<vmem>>, vector<1x1xf32>
    %add3A_82 = vector.broadcast %get3A_81 : vector<1x1xf32> to vector<2048x1xf32>
    %add3A_83 = arith.addf %add3A_78, %add3A_82 : vector<2048x1xf32>
    %swap3A = arith.constant 0 : index
    %swap3A_84 = arith.constant 0 : index
    %swap3A_85 = vector.load %arg13[%swap3A, %swap3A_84] : memref<2048x1xf32, #tpu.memory_space<vmem>>, vector<2048x1xf32>
    tpu.vector_store %arg13[%swap3A, %swap3A_84], %add3A_83 {strides = array<i32>} : memref<2048x1xf32, #tpu.memory_space<vmem>>, vector<2048x1xf32>,
    return
  }
  func.func @transform_0(%arg0: i32) -> (i32, i32) {
    %c0_i32 = arith.constant 0 : i32
    %c0_i32_0 = arith.constant 0 : i32
    return %arg0, %c0_i32 : i32, i32
  }
  func.func @transform_1(%arg0: i32) -> (i32, i32) {
    %c0_i32 = arith.constant 0 : i32
    %c0_i32_0 = arith.constant 0 : i32
    return %arg0, %c0_i32 : i32, i32
  }
  func.func @transform_2(%arg0: i32) -> (i32, i32) {
    %c0_i32 = arith.constant 0 : i32
    %c0_i32_0 = arith.constant 0 : i32
    %c0_i32_1 = arith.constant 0 : i32
    return %c0_i32, %c0_i32_0 : i32, i32
  }
  func.func @transform_3(%arg0: i32) -> (i32, i32) {
    %c0_i32 = arith.constant 0 : i32
    %c0_i32_0 = arith.constant 0 : i32
    %c0_i32_1 = arith.constant 0 : i32
    return %c0_i32, %c0_i32_0 : i32, i32
  }
  func.func @transform_4(%arg0: i32) -> (i32, i32) {
    %c0_i32 = arith.constant 0 : i32
    %c0_i32_0 = arith.constant 0 : i32
    %c0_i32_1 = arith.constant 0 : i32
    return %c0_i32, %c0_i32_0 : i32, i32
  }
  func.func @transform_5(%arg0: i32) -> (i32, i32) {
    %c0_i32 = arith.constant 0 : i32
    %c0_i32_0 = arith.constant 0 : i32
    %c0_i32_1 = arith.constant 0 : i32
    return %c0_i32, %c0_i32_0 : i32, i32
  }
  func.func @transform_6(%arg0: i32) -> (i32, i32) {
    %c0_i32 = arith.constant 0 : i32
    %c0_i32_0 = arith.constant 0 : i32
    %c0_i32_1 = arith.constant 0 : i32
    return %c0_i32, %c0_i32_0 : i32, i32
  }
  func.func @transform_7(%arg0: i32) -> (i32, i32) {
    %c0_i32 = arith.constant 0 : i32
    %c0_i32_0 = arith.constant 0 : i32
    %c0_i32_1 = arith.constant 0 : i32
    return %c0_i32, %c0_i32_0 : i32, i32
  }
  func.func @transform_8(%arg0: i32) -> (i32, i32) {
    %c0_i32 = arith.constant 0 : i32
    %c0_i32_0 = arith.constant 0 : i32
    %c0_i32_1 = arith.constant 0 : i32
    return %c0_i32, %c0_i32_0 : i32, i32
  }
  func.func @transform_9(%arg0: i32) -> (i32, i32) {
    %c0_i32 = arith.constant 0 : i32
    %c0_i32_0 = arith.constant 0 : i32
    %c0_i32_1 = arith.constant 0 : i32
    return %c0_i32, %c0_i32_0 : i32, i32
  }
  func.func @transform_10(%arg0: i32) -> (i32, i32) {
    %c0_i32 = arith.constant 0 : i32
    %c0_i32_0 = arith.constant 0 : i32
    %c0_i32_1 = arith.constant 0 : i32
    return %c0_i32, %c0_i32_0 : i32, i32
  }
  func.func @transform_11(%arg0: i32) -> (i32, i32) {
    %c0_i32 = arith.constant 0 : i32
    %c0_i32_0 = arith.constant 0 : i32
    %c0_i32_1 = arith.constant 0 : i32
    return %c0_i32, %c0_i32_0 : i32, i32
  }
  func.func @transform_12(%arg0: i32) -> (i32, i32) {
    %c0_i32 = arith.constant 0 : i32
    %c0_i32_0 = arith.constant 0 : i32
    return %arg0, %c0_i32 : i32, i32
  }
}

</mosaic_0001>

<sc_bundles>
// kernel: kernel.6.cloned.1.call-start
scs
__scs_entry_jumppad:
0x0: {  	(pc) =	sbr.rel $0x88, $3  }
0x1: {  	(tag) =	ssettag $0x0;
	lr =	simm.s32 $0x1  }
0x2: {  	[smem:$0x3F93] =	sst lr;
	_ =	strace $0xD0000000  }
0x3: {  	_ = 	snop  }
0x4: {  	_ = 	snop  }
0x5: {  	_ = 	snop  }
0x6: {  	_ = 	snop  }
0x7: {  	_ = 	snop  }
__scs_overlays_trampoline_lowered:
0x8: {  	[smem:$0x3FA2] =	sst s0  }
0x9: {  	[smem:$0x3FA3] =	sst s1  }
0xa: {  	[smem:$0x3FA4] =	sst s2  }
0xb: {  	[smem:$0x3FA5] =	sst s3  }
0xc: {  	[smem:$0x3FA6] =	sst s4  }
0xd: {  	[smem:$0x3FA7] =	sst s5  }
0xe: {  	[smem:$0x3FA8] =	sst s6  }
0xf: {  	[smem:$0x3FA9] =	sst s7  }
0x10: {  	[smem:$0x3FAA] =	sst s8  }
0x11: {  	[smem:$0x3FAB] =	sst s9;
	s0 =	simm.s32 @!p0 $0x0  }
0x12: {  	s1 =	sld [smem:$0x3F91];
	s0 =	simm.s32 @p0 $0x1  }
0x13: {  	[smem:$0x3FAC] =	sst s0;
	s0 =	simm.s32 @!p1 $0x0  }
0x14: {  	s2 =	sld [smem:$0x3F90];
	s0 =	simm.s32 @p1 $0x1  }
0x15: {  	[smem:$0x3FAD] =	sst s0;
	s0 =	simm.s32 @!p2 $0x0  }
0x16: {  	s3 =	sld [smem:$0x3FDB];
	s0 =	simm.s32 @p2 $0x1  }
0x17: {  	s4 =	simm.s32 $0x1BF5;
	[smem:$0x3FAF] =	sst s0  }
0x18: {  	s0 =	sld [smem:$0x3F92];
	_ =	swait.ge [sflag:s4], $0x0  }
0x19: {  	s7 =	sld [smem:$0x3F93]  }
0x1a: {  	s8 =	sadd.s32 $0xFFFFE003, lr  }
0x1b: {  	s9 =	sadd.s32 $0xFFFFFEF7, lr;
	s5 =	simm.s32 $0xFFFFFFFF;
	p2 =	slt.u32 s8, $0xFFFFF086  }
0x1c: {  	p1 =	slt.u32 s9, $0xF7A;
	s5 =	simm.s32 @!p2 $0x0  }
0x1d: {  	s5 =	simm.s32 @p1 $0x1;
	p0 =	seq.s32 s7, s2  }
0x1e: {  	s7 =	smul.u32 @!p0 $0xF7A, s2;
	p2 =	seq.s32 @!p0 s5, $0x0  }
0x1f: {  	s9 =	smul.u32 $0xF7A, s1;
	s8 =	simm.s32 @!p0 $0x1BF5;
	p2 =	por !p2, p0  }
0x20: {  	[sflag:s8] =	ssyncset.s32 @!p0 $0xFFFFF086;
	s6 =	sadd.s32 @!p0 s3, s7;
	s7 =	simm.s32 @!p0 $0x108  }
0x21: {  	s3 =	sadd.s32 s3, s9;
	s6 =	sadd.s32 @!p0 $0x88, s6;
	s7 =	simm.s32 @p2 $0x1082  }
0x22: {  	[simem:s7], [sflag:s8] =	dma.local @!p0 [hbm:s6], $0xF7A  }
0x23: {  	s9 =	sor.u32 $0xD0000000, s2;
	s6 =	simm.s32 $0x108;
	_ =	swait.ge @!p0 [sflag:s8], $0x0  }
0x24: {  	s3 =	sadd.s32 $0x88, s3;
	s6 =	simm.s32 @!p1 $0x1082;
	[sflag:s4] =	ssyncset.s32 $0xFFFFF086  }
0x25: {  	[simem:s6], [sflag:s4] =	dma.local [hbm:s3], $0xF7A  }
0x26: {  	[smem:$0x3F93] =	sst s1;
	(tag) =	ssettag s2;
	_ =	strace s9  }
0x27: {  	s1 =	sld [smem:$0x3FA3]  }
0x28: {  	s2 =	sld [smem:$0x3FA4]  }
0x29: {  	s4 =	sld [smem:$0x3FA6]  }
0x2a: {  	p0 =	seq.s32 s5, $0x0;
	s5 =	sld [smem:$0x3FA7]  }
0x2b: {  	s6 =	sld [smem:$0x3FA8]  }
0x2c: {  	s7 =	sld [smem:$0x3FA9]  }
0x2d: {  	s3 =	simm.s32 $0x108;
	s8 =	sld [smem:$0x3FAA]  }
0x2e: {  	s3 =	simm.s32 @!p0 $0x1082;
	s9 =	sld [smem:$0x3FAB]  }
0x2f: {  	lr =	sadd.s32 s0, s3;
	s0 =	sld [smem:$0x3FA2]  }
0x30: {  	s3 =	sld [smem:$0x3FA5]  }
0x31: {  	[smem:$0x3FAE] =	sst s10  }
0x32: {  	s10 =	sld [smem:$0x3FAC];
	_ =	sdelay $0x3  }
0x33: {  	p0 =	seq.s32 s10, $0x1;
	s10 =	sld [smem:$0x3FAE];
	_ =	sdelay $0x3  }
0x34: {  	[smem:$0x3FAE] =	sst s10  }
0x35: {  	s10 =	sld [smem:$0x3FAD];
	_ =	sdelay $0x3  }
0x36: {  	p1 =	seq.s32 s10, $0x1;
	s10 =	sld [smem:$0x3FAE];
	_ =	sdelay $0x3  }
0x37: {  	[smem:$0x3FAE] =	sst s10  }
0x38: {  	s10 =	sld [smem:$0x3FAF]  }
0x39: {  	_ = 	snop;
	(pc) =	sbr.ind lr, $3  }
0x3a: {  	_ = 	snop  }
0x3b: {  	_ = 	snop  }
0x3c: {  	p2 =	seq.s32 s10, $0x1;
	s10 =	sld [smem:$0x3FAE]  }
0x3d: {  	_ =	shalt  }
0x3e: {  	_ =	shalt  }
0x3f: {  	_ =	shalt  }
0x40: {  	_ =	shalt  }
0x41: {  	_ =	shalt  }
0x42: {  	_ =	shalt  }
0x43: {  	_ =	shalt  }
0x44: {  	_ =	shalt  }
0x45: {  	_ =	shalt  }
0x46: {  	_ =	shalt  }
0x47: {  	_ =	shalt  }
0x48: {  	_ =	shalt  }
0x49: {  	_ =	shalt  }
0x4a: {  	_ =	shalt  }
0x4b: {  	_ =	shalt  }
0x4c: {  	_ =	shalt  }
0x4d: {  	_ =	shalt  }
0x4e: {  	_ =	shalt  }
0x4f: {  	_ =	shalt  }
0x50: {  	_ =	shalt  }
0x51: {  	_ =	shalt  }
0x52: {  	_ =	shalt  }
0x53: {  	_ =	shalt  }
0x54: {  	_ =	shalt  }
0x55: {  	_ =	shalt  }
0x56: {  	_ =	shalt  }
0x57: {  	_ =	shalt  }
0x58: {  	_ =	shalt  }
0x59: {  	_ =	shalt  }
0x5a: {  	_ =	shalt  }
0x5b: {  	_ =	shalt  }
0x5c: {  	_ =	shalt  }
0x5d: {  	_ =	shalt  }
0x5e: {  	_ =	shalt  }
0x5f: {  	_ =	shalt  }
0x60: {  	_ =	shalt  }
0x61: {  	_ =	shalt  }
0x62: {  	_ =	shalt  }
0x63: {  	_ =	shalt  }
0x64: {  	_ =	shalt  }
0x65: {  	_ =	shalt  }
0x66: {  	_ =	shalt  }
0x67: {  	_ =	shalt  }
0x68: {  	_ =	shalt  }
0x69: {  	_ =	shalt  }
0x6a: {  	_ =	shalt  }
0x6b: {  	_ =	shalt  }
0x6c: {  	_ =	shalt  }
0x6d: {  	_ =	shalt  }
0x6e: {  	_ =	shalt  }
0x6f: {  	_ =	shalt  }
0x70: {  	_ =	shalt  }
0x71: {  	_ =	shalt  }
0x72: {  	_ =	shalt  }
0x73: {  	_ =	shalt  }
0x74: {  	_ =	shalt  }
0x75: {  	_ =	shalt  }
0x76: {  	_ =	shalt  }
0x77: {  	_ =	shalt  }
0x78: {  	_ =	shalt  }
0x79: {  	_ =	shalt  }
0x7a: {  	_ =	shalt  }
0x7b: {  	_ =	shalt  }
0x7c: {  	_ =	shalt  }
0x7d: {  	_ =	shalt  }
0x7e: {  	_ =	shalt  }
0x7f: {  	_ =	shalt  }
0x80: {  	_ =	shalt  }
0x81: {  	_ =	shalt  }
0x82: {  	_ =	shalt  }
0x83: {  	_ =	shalt  }
0x84: {  	_ =	shalt  }
0x85: {  	_ =	shalt  }
0x86: {  	_ =	shalt  }
0x87: {  	_ =	shalt  }
.Lfunc_end0:
.L_simem_size_0:
called_computation_lowered:
.L_overlay_start_0:
0x88: {  	s2 =	sld [smem:$0x3FD9]  }
0x89: {  	s3 =	sld [smem:$0x3FFE];
	_ =	sdelay $0x1  }
0x8a: {  	s1 =	srdreg.scid  }
0x8b: {  	s0 =	sand.u32 $0x1, s1  }
0x8c: {  	s17 =	sshll.u32 s0, $0xA;
	s2 =	sadd.s32 s3, s2  }
0x8d: {  	s2 =	sadd.s32 s2, s17  }
0x8e: {  	[smem:$0x3FBA] =	sst s2  }
0x8f: {  	_ = 	snop  }
0x90: {  	s2 =	sld [smem:$0x3FD0];
	(tm) =	ssettm $0x1  }
0x91: {  	s18 =	sld [smem:$0x3FFB];
	_ =	sdelay $0x3  }
0x92: {  	_ =	strace s18  }
0x93: {  	s3 =	sld [smem:$0x3FFC];
	_ =	sdelay $0x3  }
0x94: {  	_ =	strace s3  }
0x95: {  	s3 =	sld [smem:$0x3FFD];
	_ =	sdelay $0x3  }
0x96: {  	_ =	strace s3  }
0x97: {  	_ =	strace $0x8FFFFFFF  }
0x98: {  	s19 =	sld [smem:$0x3FDB];
	_ =	sdelay $0x1  }
0x99: {  	s4 =	simm.s32 $_scs_section_size  }
0x9a: {  	s5 =	simm.s32 $_size__tile_overlayer_lowered;
	s6 =	simm.s32 $_tile_overlayer_lowered  }
0x9b: {  	s22 =	simm.s32 $0x1BFF;
	s21 =	sshll.u32 s6, $0x1;
	s3 =	sadd.s32 s4, s19  }
0x9c: {  	s7 =	simm.s32 $0x0;
	s20 =	sshll.u32 s5, $0x1;
	s5 =	sadd.s32 s21, s3  }
0x9d: {  	[timem:s7], [sflag:s22] =	dma.local [hbm:s5], s20  }
0x9e: {  	_ =	swait.ge [sflag:s22], s20  }
0x9f: {  	s4 =	ssub.s32 $0x0, s20;
	[sflag:s22] =	ssyncset.done $0x0  }
0xa0: {  	[sflag:s22] =	ssyncadd.s32 s4;
	_ =	sdelay $0x1  }
0xa1: {  	s23 =	simm.s32 $0x1B8B  }
0xa2: {  	_ =	swait.ge [sflag:s23], $0x1  }
0xa3: {  	[sflag:s23] =	ssyncset.done $0x0  }
0xa4: {  	s25 =	simm.s32 $0x1B8E;
	s24 =	sld [smem:$0x3FFE];
	[sflag:s23] =	ssyncadd.s32 $0xFFFFFFFF  }
0xa5: {  	s26 =	simm.s32 $execute0_lowered;
	[smem:$0x3FD2] =	sst s25  }
0xa6: {  	s5 =	sshll.u32 s26, $0x1;
	_ =	strace $0x80000046;
	[dreg:$0x1] =	wrdreg $0xFFFFFFFF  }
0xa7: {  	s28 =	simm.s32 $_size_execute0_lowered;
	s3 =	sadd.s32 s3, s5;
	[dreg:$0x0] =	wrdreg $0x0  }
0xa8: {  	s5 =	sshll.u32 s28, $0x1;
	[dreg:$0x2] =	wrdreg s3  }
0xa9: {  	[dreg:$0x3] =	wrdreg s5  }
0xaa: {  	[dreg:$0x4] =	wrdreg $0xC0  }
0xab: {  	_ =	task [dreg:s7], $0x5FFFF  }
0xac: {  	[dreg:$0x1] =	wrdreg $0xFFFFFFFF  }
0xad: {  	[dreg:$0x0] =	wrdreg $0x60  }
0xae: {  	[dreg:$0x2] =	wrdreg s2  }
0xaf: {  	[dreg:$0x3] =	wrdreg s24  }
0xb0: {  	[dreg:$0x4] =	wrdreg $0x9  }
0xb1: {  	_ =	task.clear_ibuf [dreg:s7], $0x5FFFF;
	_ =	strace $0x90000046  }
0xb2: {  	s29 =	simm.s32 $0x9;
	_ =	strace $0x80000048  }
0xb3: {  	_ =	swait.ge [sflag:s29], $0x1  }
0xb4: {  	[sflag:s29] =	ssyncadd.s32 $0xFFFFFFFF  }
0xb5: {  	_ =	strace $0x90000048  }
0xb6: {  	_ =	sfence  }
0xb7: {  	s30 =	sld [smem:$0x0];
	_ =	sdelay $0x2  }
0xb8: {  	s31 =	sshll.u32 s1, $0xD;
	s1 =	sshrl.u32 s1, $0x2  }
0xb9: {  	s3 =	sand.u32 $0x4000, s31;
	s1 =	sadd.s32 s1, s30  }
0xba: {  	s0 =	sor.u32 s3, s0;
	s1 =	sshll.u32 s1, $0x11  }
0xbb: {  	s0 =	sor.u32 s1, s0  }
0xbc: {  	s0 =	sadd.s32 $0x8F2B, s0  }
0xbd: {  	[sflag:s0] =	ssyncadd.remote.s32 $0x1  }
0xbe: {  	_ =	sfence.sel $0xFFFF  }
0xbf: {  	[dreg:$0x0] =	wrdreg $0xFFFFFFFF;
	(pc) =	sbr.abs _section_cstart, $3  }
0xc0: {  	[dreg:$0x1] =	wrdreg $0xFFFFFFFF  }
0xc1: {  	_ =	task.clear_ibuf [dreg:s7], $0x2FFFF;
	_ =	strace $0x9FFFFFFF  }
0xc2: {  	(tm) =	ssettm $0x7FFFFFFF  }
0xc3: {  	_ =	shalt  }
tec
execute0_lowered:
.L_overlay_start_1:
0x0: {  	(tag) =	ssettag $0x1  }
0x1: {  	s3 =	rddreg [dreg:$0x0]  }
0x2: {  	s1 =	srdreg.scid;
	s0 =	stileid.u32  }
0x3: {  	s22 =	rddreg [dreg:$0x1];
	s30 =	sand.u32 $0x1, s1;
	s4 =	sshll.u32 s0, $0x1  }
0x4: {  	s2 =	simm.s32 $0x0;
	s1 =	rddreg [dreg:$0x2];
	s11 =	sor.u32 s30, s4  }
0x5: {  	[smem:$0x7FF] =	sst s2;
	s5 =	sshll.u32 s11, $0x6  }
0x6: {  	_ =	strace $0x80000047;
	s4 =	simm.s32 $0x5;
	s3 =	sadd.s32 s3, s5  }
0x7: {  	[tilespmem:s2], [sflag:$0x5] =	stream.linear.gather [hbm4b:s3+s2], $0x200, $0x38;
	[tilespmem:$0x4400] =	vst v63  }
0x8: {  	_ =	swait.ge [sflag:s4], $0x200  }
0x9: {  	s5 =	sadd.s32 s5, s22;
	[sflag:s4] =	ssyncset.done $0x0  }
0xa: {  	s6 =	simm.s32 $0x200;
	s5 =	sadd.s32 $0x1800, s5;
	[sflag:s4] =	ssyncadd.s32 $0xFFFFFE00  }
0xb: {  	[tilespmem:s6], [sflag:$0x5] =	stream.linear.gather [hbm4b:s5+s2], $0x200, $0x38;
	[tilespmem:$0x4400] =	vst v63  }
0xc: {  	_ =	swait.ge [sflag:s4], $0x200  }
0xd: {  	s8 =	simm.s32 $0x80;
	s9 =	simm.s32 $0x400;
	[sflag:s4] =	ssyncset.done $0x0  }
0xe: {  	s10 =	simm.s32 $0x1;
	s7 =	sadd.s32 $0x2000, s22;
	[sflag:s4] =	ssyncadd.s32 $0xFFFFFE00  }
0xf: {  	[tilespmem:s9], [sflag:$0x1] =	stream.indirect.gather [hbm4b:s7+s8], $0x40, s2, s8, $0xb8;
	[tilespmem:$0x4400] =	vst v63  }
0x10: {  	_ =	swait.ge [sflag:s10], $0x2000  }
0x11: {  	s20 =	sadd.s32 $0x8C2000, s22;
	s23 =	sshll.u32 s11, $0xC;
	[sflag:s10] =	ssyncset.done $0x0  }
0x12: {  	s11 =	sadd.s32 s20, s23;
	[sflag:s10] =	ssyncadd.s32 $0xFFFFE000  }
0x13: {  	[hbm4b:s11+s2] =	stream.linear.scatter [tilespmem:s9], [sflag:$0x3], $0x2000, $0x38;
	[tilespmem:$0x4400] =	vst v63  }
0x14: {  	s12 =	simm.s32 $0x2400;
	s13 =	simm.s32 $0x2  }
0x15: {  	[tilespmem:s12], [sflag:$0x2] =	stream.indirect.gather [hbm4b:s7+s8], $0x40, s8, s8, $0xb8;
	[tilespmem:$0x4400] =	vst v63  }
0x16: {  	_ =	swait.ge [sflag:s13], $0x2000  }
0x17: {  	s24 =	sor.u32 $0x400, s23;
	[sflag:s13] =	ssyncset.done $0x0  }
0x18: {  	s15 =	simm.s32 $0x3;
	s14 =	sadd.s32 s20, s24;
	[sflag:s13] =	ssyncadd.s32 $0xFFFFE000  }
0x19: {  	[hbm4b:s14+s2] =	stream.linear.scatter [tilespmem:s12], [sflag:$0x4], $0x2000, $0x38;
	[tilespmem:$0x4400] =	vst v63  }
0x1a: {  	_ =	swait.ge [sflag:s15], $0x2000  }
0x1b: {  	[sflag:s15] =	ssyncset.done $0x0  }
0x1c: {  	s16 =	simm.s32 $0x100;
	[sflag:s15] =	ssyncadd.s32 $0xFFFFE000  }
0x1d: {  	[tilespmem:s9], [sflag:$0x1] =	stream.indirect.gather [hbm4b:s7+s8], $0x40, s16, s8, $0xb8;
	[tilespmem:$0x4400] =	vst v63  }
0x1e: {  	_ =	swait.ge [sflag:s10], $0x2000  }
0x1f: {  	s26 =	sor.u32 $0x800, s23;
	[sflag:s10] =	ssyncset.done $0x0  }
0x20: {  	s17 =	simm.s32 $0x4;
	s18 =	sadd.s32 s20, s26;
	[sflag:s10] =	ssyncadd.s32 $0xFFFFE000  }
0x21: {  	[hbm4b:s18+s2] =	stream.linear.scatter [tilespmem:s9], [sflag:$0x3], $0x2000, $0x38;
	[tilespmem:$0x4400] =	vst v63  }
0x22: {  	_ =	swait.ge [sflag:s17], $0x2000  }
0x23: {  	[sflag:s17] =	ssyncset.done $0x0  }
0x24: {  	s19 =	simm.s32 $0x180;
	[sflag:s17] =	ssyncadd.s32 $0xFFFFE000  }
0x25: {  	[tilespmem:s12], [sflag:$0x2] =	stream.indirect.gather [hbm4b:s7+s8], $0x40, s19, s8, $0xb8;
	[tilespmem:$0x4400] =	vst v63  }
0x26: {  	_ =	swait.ge [sflag:s13], $0x2000  }
0x27: {  	s29 =	sor.u32 $0xC00, s23;
	[sflag:s13] =	ssyncset.done $0x0  }
0x28: {  	s20 =	sadd.s32 s20, s29;
	[sflag:s13] =	ssyncadd.s32 $0xFFFFE000  }
0x29: {  	[hbm4b:s20+s2] =	stream.linear.scatter [tilespmem:s12], [sflag:$0x4], $0x2000, $0x38;
	[tilespmem:$0x4400] =	vst v63  }
0x2a: {  	_ =	swait.ge [sflag:s15], $0x2000  }
0x2b: {  	[sflag:s15] =	ssyncset.done $0x0  }
0x2c: {  	s21 =	sadd.s32 $0x7C2000, s22;
	[sflag:s15] =	ssyncadd.s32 $0xFFFFE000  }
0x2d: {  	[tilespmem:s9], [sflag:$0x1] =	stream.indirect.gather [hbm4b:s21+s8], $0x40, s6, s8, $0xb8;
	[tilespmem:$0x4400] =	vst v63  }
0x2e: {  	_ =	swait.ge [sflag:s10], $0x2000  }
0x2f: {  	s31 =	sadd.s32 $0x8A2000, s22;
	[sflag:s10] =	ssyncset.done $0x0  }
0x30: {  	s22 =	sadd.s32 s31, s23;
	[sflag:s10] =	ssyncadd.s32 $0xFFFFE000  }
0x31: {  	[hbm4b:s22+s2] =	stream.linear.scatter [tilespmem:s9], [sflag:$0x3], $0x2000, $0x38;
	[tilespmem:$0x4400] =	vst v63  }
0x32: {  	_ =	swait.ge [sflag:s17], $0x2000  }
0x33: {  	[sflag:s17] =	ssyncset.done $0x0  }
0x34: {  	s23 =	simm.s32 $0x280;
	[sflag:s17] =	ssyncadd.s32 $0xFFFFE000  }
0x35: {  	[tilespmem:s12], [sflag:$0x2] =	stream.indirect.gather [hbm4b:s21+s8], $0x40, s23, s8, $0xb8;
	[tilespmem:$0x4400] =	vst v63  }
0x36: {  	_ =	swait.ge [sflag:s13], $0x2000  }
0x37: {  	[sflag:s13] =	ssyncset.done $0x0  }
0x38: {  	s24 =	sadd.s32 s31, s24;
	[sflag:s13] =	ssyncadd.s32 $0xFFFFE000  }
0x39: {  	[hbm4b:s24+s2] =	stream.linear.scatter [tilespmem:s12], [sflag:$0x4], $0x2000, $0x38;
	[tilespmem:$0x4400] =	vst v63  }
0x3a: {  	_ =	swait.ge [sflag:s15], $0x2000  }
0x3b: {  	[sflag:s15] =	ssyncset.done $0x0  }
0x3c: {  	s25 =	simm.s32 $0x300;
	[sflag:s15] =	ssyncadd.s32 $0xFFFFE000  }
0x3d: {  	[tilespmem:s9], [sflag:$0x1] =	stream.indirect.gather [hbm4b:s21+s8], $0x40, s25, s8, $0xb8;
	[tilespmem:$0x4400] =	vst v63  }
0x3e: {  	_ =	swait.ge [sflag:s10], $0x2000  }
0x3f: {  	[sflag:s10] =	ssyncset.done $0x0  }
0x40: {  	s26 =	sadd.s32 s31, s26;
	[sflag:s10] =	ssyncadd.s32 $0xFFFFE000  }
0x41: {  	[hbm4b:s26+s2] =	stream.linear.scatter [tilespmem:s9], [sflag:$0x3], $0x2000, $0x38;
	[tilespmem:$0x4400] =	vst v63  }
0x42: {  	_ =	swait.ge [sflag:s17], $0x2000  }
0x43: {  	s28 =	simm.s32 $0x380;
	s30 =	ssub.s32 $0x2, s30;
	[sflag:s17] =	ssyncset.done $0x0  }
0x44: {  	s29 =	sadd.s32 s31, s29;
	s31 =	sshrl.u32 s30, $0x1;
	[sflag:s17] =	ssyncadd.s32 $0xFFFFE000  }
0x45: {  	[tilespmem:s12], [sflag:$0x2] =	stream.indirect.gather [hbm4b:s21+s8], $0x40, s28, s8, $0xb8;
	[tilespmem:$0x4400] =	vst v63  }
0x46: {  	s30 =	ssub.s32 s30, s31;
	_ =	swait.ge [sflag:s13], $0x2000  }
0x47: {  	s30 =	smax.u32 s30, $0x1;
	[sflag:s13] =	ssyncset.done $0x0  }
0x48: {  	p0 =	sne.s32 s30, $0x1;
	[sflag:s13] =	ssyncadd.s32 $0xFFFFE000  }
0x49: {  	[hbm4b:s29+s2] =	stream.linear.scatter [tilespmem:s12], [sflag:$0x4], $0x2000, $0x38;
	[tilespmem:$0x4400] =	vst v63  }
.Ltmp0:
0x4a: {  	_ =	swait.ge [sflag:s15], $0x2000;
	(pc) =	sbr.rel @!p0 .LBB2_2-.Ltmp0, $4  }
0x4b: {  	[sflag:s15] =	ssyncset.done $0x0  }
0x4c: {  	[sflag:s15] =	ssyncadd.s32 $0xFFFFE000  }
0x4d: {  	_ =	swait.ge [sflag:s17], $0x2000  }
0x4e: {  	s30 =	sadd.s32 $0xFFFFFFFF, s30;
	[sflag:s17] =	ssyncset.done $0x0  }
.LBB2_1:
0x4f: {  	p0 =	sne.s32 s30, $0x1;
	s30 =	sadd.s32 $0xFFFFFFFF, s30;
	[sflag:s17] =	ssyncadd.s32 $0xFFFFE000  }
0x50: {  	[tilespmem:s2], [sflag:$0x5] =	stream.linear.gather [hbm4b:s3+s2], $0x200, $0x38;
	[tilespmem:$0x4400] =	vst v63  }
0x51: {  	_ =	swait.ge [sflag:s4], $0x200  }
0x52: {  	[sflag:s4] =	ssyncset.done $0x0  }
0x53: {  	[sflag:s4] =	ssyncadd.s32 $0xFFFFFE00  }
0x54: {  	[tilespmem:s6], [sflag:$0x5] =	stream.linear.gather [hbm4b:s5+s2], $0x200, $0x38;
	[tilespmem:$0x4400] =	vst v63  }
0x55: {  	_ =	swait.ge [sflag:s4], $0x200  }
0x56: {  	[sflag:s4] =	ssyncset.done $0x0  }
0x57: {  	[sflag:s4] =	ssyncadd.s32 $0xFFFFFE00  }
0x58: {  	[tilespmem:s9], [sflag:$0x1] =	stream.indirect.gather [hbm4b:s7+s8], $0x40, s2, s8, $0xb8;
	[tilespmem:$0x4400] =	vst v63  }
0x59: {  	_ =	swait.ge [sflag:s10], $0x2000  }
0x5a: {  	[sflag:s10] =	ssyncset.done $0x0  }
0x5b: {  	[sflag:s10] =	ssyncadd.s32 $0xFFFFE000  }
0x5c: {  	[hbm4b:s11+s2] =	stream.linear.scatter [tilespmem:s9], [sflag:$0x3], $0x2000, $0x38;
	[tilespmem:$0x4400] =	vst v63  }
0x5d: {  	_ = 	snop  }
0x5e: {  	[tilespmem:s12], [sflag:$0x2] =	stream.indirect.gather [hbm4b:s7+s8], $0x40, s8, s8, $0xb8;
	[tilespmem:$0x4400] =	vst v63  }
0x5f: {  	_ =	swait.ge [sflag:s13], $0x2000  }
0x60: {  	[sflag:s13] =	ssyncset.done $0x0  }
0x61: {  	[sflag:s13] =	ssyncadd.s32 $0xFFFFE000  }
0x62: {  	[hbm4b:s14+s2] =	stream.linear.scatter [tilespmem:s12], [sflag:$0x4], $0x2000, $0x38;
	[tilespmem:$0x4400] =	vst v63  }
0x63: {  	_ =	swait.ge [sflag:s15], $0x2000  }
0x64: {  	[sflag:s15] =	ssyncset.done $0x0  }
0x65: {  	[sflag:s15] =	ssyncadd.s32 $0xFFFFE000  }
0x66: {  	[tilespmem:s9], [sflag:$0x1] =	stream.indirect.gather [hbm4b:s7+s8], $0x40, s16, s8, $0xb8;
	[tilespmem:$0x4400] =	vst v63  }
0x67: {  	_ =	swait.ge [sflag:s10], $0x2000  }
0x68: {  	[sflag:s10] =	ssyncset.done $0x0  }
0x69: {  	[sflag:s10] =	ssyncadd.s32 $0xFFFFE000  }
0x6a: {  	[hbm4b:s18+s2] =	stream.linear.scatter [tilespmem:s9], [sflag:$0x3], $0x2000, $0x38;
	[tilespmem:$0x4400] =	vst v63  }
0x6b: {  	_ =	swait.ge [sflag:s17], $0x2000  }
0x6c: {  	[sflag:s17] =	ssyncset.done $0x0  }
0x6d: {  	[sflag:s17] =	ssyncadd.s32 $0xFFFFE000  }
0x6e: {  	[tilespmem:s12], [sflag:$0x2] =	stream.indirect.gather [hbm4b:s7+s8], $0x40, s19, s8, $0xb8;
	[tilespmem:$0x4400] =	vst v63  }
0x6f: {  	_ =	swait.ge [sflag:s13], $0x2000  }
0x70: {  	[sflag:s13] =	ssyncset.done $0x0  }
0x71: {  	[sflag:s13] =	ssyncadd.s32 $0xFFFFE000  }
0x72: {  	[hbm4b:s20+s2] =	stream.linear.scatter [tilespmem:s12], [sflag:$0x4], $0x2000, $0x38;
	[tilespmem:$0x4400] =	vst v63  }
0x73: {  	_ =	swait.ge [sflag:s15], $0x2000  }
0x74: {  	[sflag:s15] =	ssyncset.done $0x0  }
0x75: {  	[sflag:s15] =	ssyncadd.s32 $0xFFFFE000  }
0x76: {  	[tilespmem:s9], [sflag:$0x1] =	stream.indirect.gather [hbm4b:s21+s8], $0x40, s6, s8, $0xb8;
	[tilespmem:$0x4400] =	vst v63  }
0x77: {  	_ =	swait.ge [sflag:s10], $0x2000  }
0x78: {  	[sflag:s10] =	ssyncset.done $0x0  }
0x79: {  	[sflag:s10] =	ssyncadd.s32 $0xFFFFE000  }
0x7a: {  	[hbm4b:s22+s2] =	stream.linear.scatter [tilespmem:s9], [sflag:$0x3], $0x2000, $0x38;
	[tilespmem:$0x4400] =	vst v63  }
0x7b: {  	_ =	swait.ge [sflag:s17], $0x2000  }
0x7c: {  	[sflag:s17] =	ssyncset.done $0x0  }
0x7d: {  	[sflag:s17] =	ssyncadd.s32 $0xFFFFE000  }
0x7e: {  	[tilespmem:s12], [sflag:$0x2] =	stream.indirect.gather [hbm4b:s21+s8], $0x40, s23, s8, $0xb8;
	[tilespmem:$0x4400] =	vst v63  }
0x7f: {  	_ =	swait.ge [sflag:s13], $0x2000  }
0x80: {  	[sflag:s13] =	ssyncset.done $0x0  }
0x81: {  	[sflag:s13] =	ssyncadd.s32 $0xFFFFE000  }
0x82: {  	[hbm4b:s24+s2] =	stream.linear.scatter [tilespmem:s12], [sflag:$0x4], $0x2000, $0x38;
	[tilespmem:$0x4400] =	vst v63  }
0x83: {  	_ =	swait.ge [sflag:s15], $0x2000  }
0x84: {  	[sflag:s15] =	ssyncset.done $0x0  }
0x85: {  	[sflag:s15] =	ssyncadd.s32 $0xFFFFE000  }
0x86: {  	[tilespmem:s9], [sflag:$0x1] =	stream.indirect.gather [hbm4b:s21+s8], $0x40, s25, s8, $0xb8;
	[tilespmem:$0x4400] =	vst v63  }
0x87: {  	_ =	swait.ge [sflag:s10], $0x2000  }
0x88: {  	[sflag:s10] =	ssyncset.done $0x0  }
0x89: {  	[sflag:s10] =	ssyncadd.s32 $0xFFFFE000  }
0x8a: {  	[hbm4b:s26+s2] =	stream.linear.scatter [tilespmem:s9], [sflag:$0x3], $0x2000, $0x38;
	[tilespmem:$0x4400] =	vst v63  }
0x8b: {  	_ =	swait.ge [sflag:s17], $0x2000  }
0x8c: {  	[sflag:s17] =	ssyncset.done $0x0  }
0x8d: {  	[sflag:s17] =	ssyncadd.s32 $0xFFFFE000  }
0x8e: {  	[tilespmem:s12], [sflag:$0x2] =	stream.indirect.gather [hbm4b:s21+s8], $0x40, s28, s8, $0xb8;
	[tilespmem:$0x4400] =	vst v63  }
0x8f: {  	_ =	swait.ge [sflag:s13], $0x2000  }
0x90: {  	[sflag:s13] =	ssyncset.done $0x0  }
0x91: {  	[sflag:s13] =	ssyncadd.s32 $0xFFFFE000  }
0x92: {  	[hbm4b:s29+s2] =	stream.linear.scatter [tilespmem:s12], [sflag:$0x4], $0x2000, $0x38;
	[tilespmem:$0x4400] =	vst v63  }
.Ltmp1:
0x93: {  	_ =	swait.ge [sflag:s15], $0x2000;
	(pc) =	sbr.rel @p0 .LBB2_1-.Ltmp1, $4  }
0x94: {  	[sflag:s15] =	ssyncset.done $0x0  }
0x95: {  	[sflag:s15] =	ssyncadd.s32 $0xFFFFE000  }
0x96: {  	_ =	swait.ge [sflag:s17], $0x2000  }
0x97: {  	[sflag:s17] =	ssyncset.done $0x0  }
.LBB2_2:
0x98: {  	[sflag:s17] =	ssyncadd.s32 $0xFFFFE000  }
0x99: {  	_ =	sfence.sel $0x180000  }
0x9a: {  	[bflag:$0x0] =	sbarrier.arrive $0xFFFF  }
0x9b: {  	p0 =	sne.s32 s0, $0x0;
	_ =	strace $0x90000047  }
0x9c: {  	s0 =	sadd.s32 @!p0 $0x100000, s1;
	[bflag:$0x2] =	sbarrier.arrive $0xFFFF  }
0x9d: {  	[sflag:s0] =	ssyncadd.tile.s32 @!p0 $0x1;
	_ =	shalt  }
.Lfunc_end2:
_tile_overlayer_lowered:
.L_overlay_start_2:
0x9e: {  	(tag) =	ssettag $0x2  }
0x9f: {  	s0 =	rddreg [dreg:$0x0];
	s2 =	stileid.u32  }
0xa0: {  	s1 =	rddreg [dreg:$0x1];
	p0 =	sne.s32 s2, $0x0  }
0xa1: {  	s3 =	rddreg [dreg:$0x2];
	[bflag:$0x3] =	sbarrier.arrive $0xFFFF;
	s2 =	simm.s32 @!p0 $0x1C05  }
0xa2: {  	[timem:s3], [sflag:s2] =	dma.local @!p0 [hbm:s0], s1  }
0xa3: {  	s0 =	simm.s32 @!p0 $0x5  }
0xa4: {  	_ =	swait.ge @!p0 [sflag:s0], s1  }
0xa5: {  	s1 =	ssub.s32 @!p0 $0x0, s1;
	[sflag:s0] =	ssyncset.done @!p0 $0x0  }
0xa6: {  	[sflag:s0] =	ssyncadd.s32 @!p0 s1  }
0xa7: {  	[bflag:$0x3] =	sbarrier.arrive $0xFFFF  }
0xa8: {  	_ =	shalt  }

</sc_bundles>
